<compile_context>
chip_gen: v7x
topology: tpu7x:2x2x1
jax: 0.10.2.dev20260603
libtpu: 0.0.44.dev20260713+nightly
codegen_flags: <defaults>
</compile_context>

<pallas_src>
import functools

import jax
import jax.numpy as jnp
from jax import lax
from jax.experimental import pallas as pl
from jax.experimental.pallas import tpu as pltpu
from jax.experimental.pallas import tpu_sc as plsc

N = 10000
E = 320000
D = 128
NC = 2
NS = 16
NW = NC * NS
EPT = E // NW
CH = 80
NCHUNK = EPT // CH
R = 2000
NB = N // R



@functools.partial(
    pl.kernel,
    out_type=jax.ShapeDtypeStruct((NC, N), jnp.float32),
    mesh=plsc.VectorSubcoreMesh(core_axis_name="c", subcore_axis_name="s"),
    scratch_types=[
        pltpu.VMEM((NCHUNK, CH), jnp.int32),
        pltpu.VMEM((CH,), jnp.float32),
        pltpu.VMEM_SHARED((N,), jnp.float32),
    ],
)
def _deg_kernel(dst_hbm, zeros_hbm, hist_hbm, dstbuf, ones, deg_sh):
    c = lax.axis_index("c")
    s = lax.axis_index("s")
    w = c * NS + s
    pltpu.sync_copy(dst_hbm.at[w], dstbuf)
    for i in range(CH // 16):
        ones[pl.ds(i * 16, 16)] = jnp.ones((16,), jnp.float32)

    @pl.when(s == 0)
    def _():
        pltpu.sync_copy(zeros_hbm, deg_sh)

    plsc.subcore_barrier()

    def chunk(j, carry):
        pltpu.sync_copy(ones, deg_sh.at[dstbuf.at[j]], add=True)
        return carry

    lax.fori_loop(0, NCHUNK, chunk, 0)
    plsc.subcore_barrier()

    @pl.when(s == 0)
    def _():
        pltpu.sync_copy(deg_sh, hist_hbm.at[c])


@functools.partial(
    pl.kernel,
    out_type=jax.ShapeDtypeStruct((NC, N, D), jnp.float32),
    mesh=plsc.VectorSubcoreMesh(core_axis_name="c", subcore_axis_name="s"),
    scratch_types=[
        pltpu.VMEM((EPT,), jnp.int32),
        pltpu.VMEM((EPT,), jnp.int32),
        pltpu.VMEM((CH, D), jnp.float32),
        pltpu.VMEM((CH, D), jnp.float32),
        pltpu.VMEM((CH, D), jnp.float32),
        pltpu.VMEM_SHARED((N, D), jnp.float32),
        pltpu.SemaphoreType.DMA,
        pltpu.SemaphoreType.DMA,
        pltpu.SemaphoreType.DMA,
    ],
)
def _edge_kernel(y_hbm, src_hbm, dst_hbm, zeros_hbm, acc_hbm,
                 srcbuf, dstbuf, rows0, rows1, rows2, acc_sh,
                 semg0, semg1, semg2):
    c = lax.axis_index("c")
    s = lax.axis_index("s")
    w = c * NS + s
    pltpu.sync_copy(src_hbm.at[w], srcbuf)
    pltpu.sync_copy(dst_hbm.at[w], dstbuf)

    @pl.when(s < NS - 1)
    def _():
        pltpu.sync_copy(zeros_hbm.at[pl.ds(s * 624, 624)],
                        acc_sh.at[pl.ds(s * 624, 624)])

    @pl.when(s == NS - 1)
    def _():
        pltpu.sync_copy(zeros_hbm.at[pl.ds(9360, 640)],
                        acc_sh.at[pl.ds(9360, 640)])

    plsc.subcore_barrier()

    def sidx(j):
        return srcbuf.at[pl.ds(j * CH, CH)]

    def didx(j):
        return dstbuf.at[pl.ds(j * CH, CH)]

    bufs = ((rows0, semg0), (rows1, semg1), (rows2, semg2))

    for q in range(3):
        pltpu.async_copy(y_hbm.at[sidx(q)], bufs[q][0], bufs[q][1])

    def chunk_triple(p, carry):
        j3 = p * 3
        for q in range(3):
            j = j3 + q
            rows, sem = bufs[q]
            pltpu.make_async_copy(y_hbm.at[sidx(j)], rows, sem).wait()
            pltpu.sync_copy(rows, acc_sh.at[didx(j)], add=True)

            @pl.when(j < NCHUNK - 3)
            def _():
                pltpu.async_copy(y_hbm.at[sidx(j + 3)], rows, sem)

        return carry

    lax.fori_loop(0, NCHUNK // 3, chunk_triple, 0)
    for q in range(NCHUNK % 3):
        j = (NCHUNK // 3) * 3 + q
        rows, sem = bufs[q]
        pltpu.make_async_copy(y_hbm.at[sidx(j)], rows, sem).wait()
        pltpu.sync_copy(rows, acc_sh.at[didx(j)], add=True)
    plsc.subcore_barrier()

    @pl.when(s < NS - 1)
    def _():
        pltpu.sync_copy(acc_sh.at[pl.ds(s * 624, 624)],
                        acc_hbm.at[c].at[pl.ds(s * 624, 624)])

    @pl.when(s == NS - 1)
    def _():
        pltpu.sync_copy(acc_sh.at[pl.ds(9360, 640)],
                        acc_hbm.at[c].at[pl.ds(9360, 640)])



def _dinv_body(hist_ref, dinv_ref):
    deg = jnp.sum(hist_ref[...], axis=0, keepdims=True)
    dinv_ref[...] = lax.rsqrt(deg + 1.0)


def _tc_dinv(hist):
    return pl.pallas_call(
        _dinv_body,
        in_specs=[pl.BlockSpec((NC, N), lambda: (0, 0))],
        out_specs=pl.BlockSpec((1, N), lambda: (0, 0)),
        out_shape=jax.ShapeDtypeStruct((1, N), jnp.float32),
    )(hist)


def _k1_body(x_ref, w_ref, dinv_ref, y_ref):
    y_ref[...] = dinv_ref[...] * jnp.dot(x_ref[...], w_ref[...],
                                         preferred_element_type=jnp.float32)


def _tc_layer1(x, W1, dinv_col):
    return pl.pallas_call(
        _k1_body,
        grid=(NB,),
        in_specs=[
            pl.BlockSpec((R, D), lambda i: (i, 0)),
            pl.BlockSpec((D, D), lambda i: (0, 0)),
            pl.BlockSpec((R, 1), lambda i: (i, 0)),
        ],
        out_specs=pl.BlockSpec((R, D), lambda i: (i, 0)),
        out_shape=jax.ShapeDtypeStruct((N, D), jnp.float32),
    )(x, W1, dinv_col)


def _k2_body(acca_ref, accb_ref, y_ref, dinv_ref, b1_ref, w_ref, y2_ref):
    dinv = dinv_ref[...]
    h = dinv * (acca_ref[...] + accb_ref[...] + y_ref[...]) + b1_ref[...]
    h = jnp.maximum(h, 0.0)
    y2_ref[...] = dinv * jnp.dot(h, w_ref[...],
                                 preferred_element_type=jnp.float32)


def _tc_layer2(acc1, y1, dinv_col, b1, W2):
    return pl.pallas_call(
        _k2_body,
        grid=(NB,),
        in_specs=[
            pl.BlockSpec((R, D), lambda i: (i, 0)),
            pl.BlockSpec((R, D), lambda i: (NB + i, 0)),
            pl.BlockSpec((R, D), lambda i: (i, 0)),
            pl.BlockSpec((R, 1), lambda i: (i, 0)),
            pl.BlockSpec((1, D), lambda i: (0, 0)),
            pl.BlockSpec((D, D), lambda i: (0, 0)),
        ],
        out_specs=pl.BlockSpec((R, D), lambda i: (i, 0)),
        out_shape=jax.ShapeDtypeStruct((N, D), jnp.float32),
    )(acc1, acc1, y1, dinv_col, b1, W2)


def _k3_body(acca_ref, accb_ref, y_ref, dinv_ref, b2_ref, out_ref):
    out_ref[...] = (dinv_ref[...] *
                    (acca_ref[...] + accb_ref[...] + y_ref[...]) + b2_ref[...])


def _tc_final(acc2, y2, dinv_col, b2):
    return pl.pallas_call(
        _k3_body,
        grid=(NB,),
        in_specs=[
            pl.BlockSpec((R, D), lambda i: (i, 0)),
            pl.BlockSpec((R, D), lambda i: (NB + i, 0)),
            pl.BlockSpec((R, D), lambda i: (i, 0)),
            pl.BlockSpec((R, 1), lambda i: (i, 0)),
            pl.BlockSpec((1, D), lambda i: (0, 0)),
        ],
        out_specs=pl.BlockSpec((R, D), lambda i: (i, 0)),
        out_shape=jax.ShapeDtypeStruct((N, D), jnp.float32),
    )(acc2, acc2, y2, dinv_col, b2)



def kernel(x, edge_index, W1, b1, W2, b2):
    src = edge_index[0].astype(jnp.int32)
    dst = edge_index[1].astype(jnp.int32)
    src3 = src.reshape(NW, EPT)
    dst2 = dst.reshape(NW, EPT)
    dst3 = dst.reshape(NW, NCHUNK, CH)
    zeros1 = jnp.zeros((N,), jnp.float32)
    zeros2 = jnp.zeros((N, D), jnp.float32)
    b1r = b1.reshape(1, D)
    b2r = b2.reshape(1, D)

    hist = _deg_kernel(dst3, zeros1)
    dinv_col = _tc_dinv(hist).reshape(N, 1)

    y1 = _tc_layer1(x, W1, dinv_col)
    acc1 = _edge_kernel(y1, src3, dst2, zeros2).reshape(NC * N, D)
    y2 = _tc_layer2(acc1, y1, dinv_col, b1r, W2)
    acc2 = _edge_kernel(y2, src3, dst2, zeros2).reshape(NC * N, D)
    return _tc_final(acc2, y2, dinv_col, b2r)

# --- scband reference (transcript-rebuilt; emitter-appended) ---
"""Pipeline reference for scband-ontology-gnn-33320356283048 (READ-ONLY COPY).

The authoritative reference and input builder live on the scoring server;
editing this copy changes nothing except your own understanding.
"""

import jax, jax.numpy as jnp
import numpy as np

N = 10000
E = 320000
D_IN = 128
D_H = 128
D_OUT = 128


def setup_inputs(seed: int = 0) -> dict:
    key = jax.random.key(seed)
    k1, k2, k3, k4, k5, k6 = jax.random.split(key, 6)
    x = jax.random.normal(k1, (N, D_IN), dtype=jnp.float32)
    edge_index = jax.random.randint(k2, (2, E), 0, N)
    W1 = jax.random.normal(k3, (D_IN, D_H), dtype=jnp.float32) * (1.0 / np.sqrt(D_IN))
    b1 = jnp.zeros((D_H,), dtype=jnp.float32)
    W2 = jax.random.normal(k4, (D_H, D_OUT), dtype=jnp.float32) * (1.0 / np.sqrt(D_H))
    b2 = jnp.zeros((D_OUT,), dtype=jnp.float32)
    return {"x": x, "edge_index": edge_index, "W1": W1, "b1": b1, "W2": W2, "b2": b2}


def _gcn_layer(x, src, dst, W, b):
    n = x.shape[0]
    xw = x @ W
    deg = jnp.zeros((n,), dtype=x.dtype).at[dst].add(1.0)
    dinv = jnp.where(deg > 0, jax.lax.rsqrt(jnp.maximum(deg, 1e-12)), 0.0)
    norm = dinv[src] * dinv[dst]
    msgs = xw[src] * norm[:, None]
    out = jnp.zeros((n, xw.shape[1]), dtype=x.dtype).at[dst].add(msgs)
    return out + b


def reference(x, edge_index, W1, b1, W2, b2):
    n = x.shape[0]
    loop = jnp.arange(n, dtype=edge_index.dtype)
    src = jnp.concatenate([edge_index[0], loop])
    dst = jnp.concatenate([edge_index[1], loop])
    h = _gcn_layer(x, src, dst, W1, b1)
    h = jax.nn.relu(h)
    out = _gcn_layer(h, src, dst, W2, b2)
    return out

if __name__ == "__main__":
    import jax
    _d = setup_inputs()
    print(jax.jit(kernel)(*tuple(_d.values())))

</pallas_src>

<mosaic_0001>
#map = affine_map<(d0, d1) -> (0, 0, 0)>
#map1 = affine_map<(d0, d1) -> (0)>
#map2 = affine_map<(d0, d1) -> (0, 0)>
module attributes {stable_mosaic.version = 14 : i64} {
  func.func @_deg_kernel(%arg0: i32, %arg1: i32, %arg2: memref<32x125x80xi32, #tpu.memory_space<hbm>>, %arg3: memref<10000xf32, #tpu.memory_space<hbm>>, %arg4: memref<2x10000xf32, #tpu.memory_space<hbm>>, %arg5: memref<125x80xi32, #tpu.memory_space<vmem>>, %arg6: memref<80xf32, #tpu.memory_space<vmem>>, %arg7: memref<10000xf32, #tpu.memory_space<vmem_shared>>) attributes {dimension_semantics = [#tpu.dimension_semantics<core_parallel>, #tpu.dimension_semantics<subcore_parallel>], iteration_bounds = array<i64: 2, 16>, scalar_prefetch = 0 : i64, scratch_operands = 3 : i64, tpu.core_type = #tpu.core_type<sc_vector_subcore>, window_params = [{transform_indices = #map}, {transform_indices = #map1}, {transform_indices = #map2}]} {
    %mul3A = arith.constant 16 : i32
    %mul3A_0 = arith.muli %arg0, %mul3A : i32
    %add3A = arith.addi %mul3A_0, %arg1 : i32
    "tpu.region"() ({
      %run_scoped3A = tpu.sem_alloc : memref<!tpu.dma_semaphore, #tpu.memory_space<semaphore_mem>>
      %dma_start3A = arith.constant 0 : i32
      %dma_start3A_42 = arith.constant 0 : i32
      %dma_start3A_43 = tpu.memref_slice %arg2[%add3A, %dma_start3A, %dma_start3A_42] : memref<32x125x80xi32, #tpu.memory_space<hbm>> -> memref<1x125x80xi32, #tpu.memory_space<hbm>>
      %dma_start3A_44 = tpu.memref_squeeze %dma_start3A_43 : memref<1x125x80xi32, #tpu.memory_space<hbm>> -> memref<125x80xi32, #tpu.memory_space<hbm>>
      %dma_start3A_45 = arith.constant 0 : i32
      %dma_start3A_46 = arith.constant 0 : i32
      %dma_start3A_47 = tpu.memref_slice %arg2[%add3A, %dma_start3A_45, %dma_start3A_46] : memref<32x125x80xi32, #tpu.memory_space<hbm>> -> memref<1x125x80xi32, #tpu.memory_space<hbm>>
      %dma_start3A_48 = tpu.memref_squeeze %dma_start3A_47 : memref<1x125x80xi32, #tpu.memory_space<hbm>> -> memref<125x80xi32, #tpu.memory_space<hbm>>
      tpu.enqueue_dma source(%dma_start3A_48 : memref<125x80xi32, #tpu.memory_space<hbm>>) target(%arg5 : memref<125x80xi32, #tpu.memory_space<vmem>>) target_semaphore(%run_scoped3A : memref<!tpu.dma_semaphore, #tpu.memory_space<semaphore_mem>>)
      %dma_wait3A = arith.constant 0 : i32
      %dma_wait3A_49 = arith.constant 0 : i32
      %dma_wait3A_50 = tpu.memref_slice %arg2[%add3A, %dma_wait3A, %dma_wait3A_49] : memref<32x125x80xi32, #tpu.memory_space<hbm>> -> memref<1x125x80xi32, #tpu.memory_space<hbm>>
      %dma_wait3A_51 = tpu.memref_squeeze %dma_wait3A_50 : memref<1x125x80xi32, #tpu.memory_space<hbm>> -> memref<125x80xi32, #tpu.memory_space<hbm>>
      %dma_wait3A_52 = arith.constant 0 : i32
      %dma_wait3A_53 = arith.constant 0 : i32
      %dma_wait3A_54 = tpu.memref_slice %arg2[%add3A, %dma_wait3A_52, %dma_wait3A_53] : memref<32x125x80xi32, #tpu.memory_space<hbm>> -> memref<1x125x80xi32, #tpu.memory_space<hbm>>
      %dma_wait3A_55 = tpu.memref_squeeze %dma_wait3A_54 : memref<1x125x80xi32, #tpu.memory_space<hbm>> -> memref<125x80xi32, #tpu.memory_space<hbm>>
      tpu.wait_dma2 semaphore(%run_scoped3A : memref<!tpu.dma_semaphore, #tpu.memory_space<semaphore_mem>>) src(%dma_wait3A_55 : memref<125x80xi32, #tpu.memory_space<hbm>>) dst(%arg5 : memref<125x80xi32, #tpu.memory_space<vmem>>)
      tpu.yield
    }) : () -> ()
    %broadcast_in_dim3A = arith.constant 1.000000e+00 : f32
    %broadcast_in_dim3A_1 = vector.broadcast %broadcast_in_dim3A : f32 to vector<16xf32>
    %swap3A = arith.constant 0 : index
    %swap3A_2 = tpu.vector_load %arg6[%swap3A] {strides = array<i32>} : memref<80xf32, #tpu.memory_space<vmem>>, vector<16xf32>,
    %swap3A_3 = vector.shape_cast %swap3A_2 : vector<16xf32> to vector<16xf32>
    %swap3A_4 = vector.shape_cast %broadcast_in_dim3A_1 : vector<16xf32> to vector<16xf32>
    tpu.vector_store %arg6[%swap3A], %swap3A_4 {strides = array<i32>} : memref<80xf32, #tpu.memory_space<vmem>>, vector<16xf32>,
    %broadcast_in_dim3A_5 = arith.constant 1.000000e+00 : f32
    %broadcast_in_dim3A_6 = vector.broadcast %broadcast_in_dim3A_5 : f32 to vector<16xf32>
    %swap3A_7 = arith.constant 16 : index
    %swap3A_8 = tpu.vector_load %arg6[%swap3A_7] {strides = array<i32>} : memref<80xf32, #tpu.memory_space<vmem>>, vector<16xf32>,
    %swap3A_9 = vector.shape_cast %swap3A_8 : vector<16xf32> to vector<16xf32>
    %swap3A_10 = vector.shape_cast %broadcast_in_dim3A_6 : vector<16xf32> to vector<16xf32>
    tpu.vector_store %arg6[%swap3A_7], %swap3A_10 {strides = array<i32>} : memref<80xf32, #tpu.memory_space<vmem>>, vector<16xf32>,
    %broadcast_in_dim3A_11 = arith.constant 1.000000e+00 : f32
    %broadcast_in_dim3A_12 = vector.broadcast %broadcast_in_dim3A_11 : f32 to vector<16xf32>
    %swap3A_13 = arith.constant 32 : index
    %swap3A_14 = tpu.vector_load %arg6[%swap3A_13] {strides = array<i32>} : memref<80xf32, #tpu.memory_space<vmem>>, vector<16xf32>,
    %swap3A_15 = vector.shape_cast %swap3A_14 : vector<16xf32> to vector<16xf32>
    %swap3A_16 = vector.shape_cast %broadcast_in_dim3A_12 : vector<16xf32> to vector<16xf32>
    tpu.vector_store %arg6[%swap3A_13], %swap3A_16 {strides = array<i32>} : memref<80xf32, #tpu.memory_space<vmem>>, vector<16xf32>,
    %broadcast_in_dim3A_17 = arith.constant 1.000000e+00 : f32
    %broadcast_in_dim3A_18 = vector.broadcast %broadcast_in_dim3A_17 : f32 to vector<16xf32>
    %swap3A_19 = arith.constant 48 : index
    %swap3A_20 = tpu.vector_load %arg6[%swap3A_19] {strides = array<i32>} : memref<80xf32, #tpu.memory_space<vmem>>, vector<16xf32>,
    %swap3A_21 = vector.shape_cast %swap3A_20 : vector<16xf32> to vector<16xf32>
    %swap3A_22 = vector.shape_cast %broadcast_in_dim3A_18 : vector<16xf32> to vector<16xf32>
    tpu.vector_store %arg6[%swap3A_19], %swap3A_22 {strides = array<i32>} : memref<80xf32, #tpu.memory_space<vmem>>, vector<16xf32>,
    %broadcast_in_dim3A_23 = arith.constant 1.000000e+00 : f32
    %broadcast_in_dim3A_24 = vector.broadcast %broadcast_in_dim3A_23 : f32 to vector<16xf32>
    %swap3A_25 = arith.constant 64 : index
    %swap3A_26 = tpu.vector_load %arg6[%swap3A_25] {strides = array<i32>} : memref<80xf32, #tpu.memory_space<vmem>>, vector<16xf32>,
    %swap3A_27 = vector.shape_cast %swap3A_26 : vector<16xf32> to vector<16xf32>
    %swap3A_28 = vector.shape_cast %broadcast_in_dim3A_24 : vector<16xf32> to vector<16xf32>
    tpu.vector_store %arg6[%swap3A_25], %swap3A_28 {strides = array<i32>} : memref<80xf32, #tpu.memory_space<vmem>>, vector<16xf32>,
    %eq3A = arith.constant 0 : i32
    %eq3A_29 = arith.cmpi eq, %arg1, %eq3A : i32
    %convert_element_type3A = arith.extui %eq3A_29 : i1 to i32
    %cond3A = arith.constant 0 : i32
    %cond3A_30 = arith.cmpi ne, %convert_element_type3A, %cond3A : i32
    scf.if %cond3A_30 {
      "tpu.region"() ({
        %run_scoped3A = tpu.sem_alloc : memref<!tpu.dma_semaphore, #tpu.memory_space<semaphore_mem>>
        tpu.enqueue_dma source(%arg3 : memref<10000xf32, #tpu.memory_space<hbm>>) target(%arg7 : memref<10000xf32, #tpu.memory_space<vmem_shared>>) target_semaphore(%run_scoped3A : memref<!tpu.dma_semaphore, #tpu.memory_space<semaphore_mem>>)
        tpu.wait_dma2 semaphore(%run_scoped3A : memref<!tpu.dma_semaphore, #tpu.memory_space<semaphore_mem>>) src(%arg3 : memref<10000xf32, #tpu.memory_space<hbm>>) dst(%arg7 : memref<10000xf32, #tpu.memory_space<vmem_shared>>)
        tpu.yield
      }) : () -> ()
    } else {
    }
    %barrier3A = arith.constant 0 : index
    tpu.barrier barrier_id(%barrier3A)
    %scan3A = arith.constant 0 : i32
    %scan3A_31 = arith.constant 0 : i32
    %scan3A_32 = arith.constant 125 : i32
    %scan3A_33 = arith.addi %scan3A_31, %scan3A_32 : i32
    %scan3A_34 = arith.constant 1 : i32
    scf.for %scan3A_42 = %scan3A_31 to %scan3A_33 step %scan3A_34  : i32 {
      "tpu.region"() ({
        %run_scoped3A = tpu.sem_alloc : memref<!tpu.dma_semaphore, #tpu.memory_space<semaphore_mem>>
        %dma_start3A = arith.constant 0 : i32
        %dma_start3A_43 = tpu.memref_slice %arg5[%scan3A_42, %dma_start3A] : memref<125x80xi32, #tpu.memory_space<vmem>> -> memref<1x80xi32, #tpu.memory_space<vmem>>
        %dma_start3A_44 = tpu.memref_squeeze %dma_start3A_43 : memref<1x80xi32, #tpu.memory_space<vmem>> -> memref<80xi32, #tpu.memory_space<vmem>>
        %dma_start3A_45 = arith.constant 0 : i32
        %dma_start3A_46 = tpu.memref_slice %arg7[%dma_start3A_45] : memref<10000xf32, #tpu.memory_space<vmem_shared>> -> memref<10000xf32, #tpu.memory_space<vmem_shared>>
        tpu.enqueue_indirect_dma source(%arg6 : memref<80xf32, #tpu.memory_space<vmem>>) target(%dma_start3A_46 : memref<10000xf32, #tpu.memory_space<vmem_shared>>) offsets(%dma_start3A_44 : memref<80xi32, #tpu.memory_space<vmem>>) semaphore(%run_scoped3A : memref<!tpu.dma_semaphore, #tpu.memory_space<semaphore_mem>>) {add = true}
        %dma_wait3A = arith.constant 0 : i32
        %dma_wait3A_47 = tpu.memref_slice %arg5[%scan3A_42, %dma_wait3A] : memref<125x80xi32, #tpu.memory_space<vmem>> -> memref<1x80xi32, #tpu.memory_space<vmem>>
        %dma_wait3A_48 = tpu.memref_squeeze %dma_wait3A_47 : memref<1x80xi32, #tpu.memory_space<vmem>> -> memref<80xi32, #tpu.memory_space<vmem>>
        %dma_wait3A_49 = arith.constant 0 : i32
        %dma_wait3A_50 = tpu.memref_slice %arg7[%dma_wait3A_49] : memref<10000xf32, #tpu.memory_space<vmem_shared>> -> memref<10000xf32, #tpu.memory_space<vmem_shared>>
        tpu.wait_indirect_dma semaphore(%run_scoped3A : memref<!tpu.dma_semaphore, #tpu.memory_space<semaphore_mem>>) src(%arg6 : memref<80xf32, #tpu.memory_space<vmem>>) dst(%dma_wait3A_50 : memref<10000xf32, #tpu.memory_space<vmem_shared>>)
        tpu.yield
      }) : () -> ()
    }
    %scan3A_35 = arith.constant 125 : i32
    %barrier3A_36 = arith.constant 0 : index
    tpu.barrier barrier_id(%barrier3A_36)
    %eq3A_37 = arith.constant 0 : i32
    %eq3A_38 = arith.cmpi eq, %arg1, %eq3A_37 : i32
    %convert_element_type3A_39 = arith.extui %eq3A_38 : i1 to i32
    %cond3A_40 = arith.constant 0 : i32
    %cond3A_41 = arith.cmpi ne, %convert_element_type3A_39, %cond3A_40 : i32
    scf.if %cond3A_41 {
      "tpu.region"() ({
        %run_scoped3A = tpu.sem_alloc : memref<!tpu.dma_semaphore, #tpu.memory_space<semaphore_mem>>
        %dma_start3A = arith.constant 0 : i32
        %dma_start3A_42 = tpu.memref_slice %arg4[%arg0, %dma_start3A] : memref<2x10000xf32, #tpu.memory_space<hbm>> -> memref<1x10000xf32, #tpu.memory_space<hbm>>
        %dma_start3A_43 = tpu.memref_squeeze %dma_start3A_42 : memref<1x10000xf32, #tpu.memory_space<hbm>> -> memref<10000xf32, #tpu.memory_space<hbm>>
        tpu.enqueue_dma source(%arg7 : memref<10000xf32, #tpu.memory_space<vmem_shared>>) target(%dma_start3A_43 : memref<10000xf32, #tpu.memory_space<hbm>>) target_semaphore(%run_scoped3A : memref<!tpu.dma_semaphore, #tpu.memory_space<semaphore_mem>>)
        %dma_wait3A = arith.constant 0 : i32
        %dma_wait3A_44 = tpu.memref_slice %arg4[%arg0, %dma_wait3A] : memref<2x10000xf32, #tpu.memory_space<hbm>> -> memref<1x10000xf32, #tpu.memory_space<hbm>>
        %dma_wait3A_45 = tpu.memref_squeeze %dma_wait3A_44 : memref<1x10000xf32, #tpu.memory_space<hbm>> -> memref<10000xf32, #tpu.memory_space<hbm>>
        tpu.wait_dma2 semaphore(%run_scoped3A : memref<!tpu.dma_semaphore, #tpu.memory_space<semaphore_mem>>) src(%arg7 : memref<10000xf32, #tpu.memory_space<vmem_shared>>) dst(%dma_wait3A_45 : memref<10000xf32, #tpu.memory_space<hbm>>)
        tpu.yield
      }) : () -> ()
    } else {
    }
    return
  }
}

#map = affine_map<(d0, d1) -> (0, 0)>
#map1 = affine_map<(d0, d1) -> (0, 0, 0)>
module attributes {stable_mosaic.version = 14 : i64} {
  func.func @_edge_kernel(%arg0: i32, %arg1: i32, %arg2: memref<10000x128xf32, #tpu.memory_space<hbm>>, %arg3: memref<32x10000xi32, #tpu.memory_space<hbm>>, %arg4: memref<32x10000xi32, #tpu.memory_space<hbm>>, %arg5: memref<10000x128xf32, #tpu.memory_space<hbm>>, %arg6: memref<2x10000x128xf32, #tpu.memory_space<hbm>>, %arg7: memref<10000xi32, #tpu.memory_space<vmem>>, %arg8: memref<10000xi32, #tpu.memory_space<vmem>>, %arg9: memref<80x128xf32, #tpu.memory_space<vmem>>, %arg10: memref<80x128xf32, #tpu.memory_space<vmem>>, %arg11: memref<80x128xf32, #tpu.memory_space<vmem>>, %arg12: memref<10000x128xf32, #tpu.memory_space<vmem_shared>>, %arg13: memref<!tpu.dma_semaphore, #tpu.memory_space<semaphore_mem>>, %arg14: memref<!tpu.dma_semaphore, #tpu.memory_space<semaphore_mem>>, %arg15: memref<!tpu.dma_semaphore, #tpu.memory_space<semaphore_mem>>) attributes {dimension_semantics = [#tpu.dimension_semantics<core_parallel>, #tpu.dimension_semantics<subcore_parallel>], iteration_bounds = array<i64: 2, 16>, scalar_prefetch = 0 : i64, scratch_operands = 9 : i64, tpu.core_type = #tpu.core_type<sc_vector_subcore>, window_params = [{transform_indices = #map}, {transform_indices = #map}, {transform_indices = #map}, {transform_indices = #map}, {transform_indices = #map1}]} {
    %mul3A = arith.constant 16 : i32
    %mul3A_0 = arith.muli %arg0, %mul3A : i32
    %add3A = arith.addi %mul3A_0, %arg1 : i32
    "tpu.region"() ({
      %run_scoped3A = tpu.sem_alloc : memref<!tpu.dma_semaphore, #tpu.memory_space<semaphore_mem>>
      %dma_start3A_46 = arith.constant 0 : i32
      %dma_start3A_47 = tpu.memref_slice %arg3[%add3A, %dma_start3A_46] : memref<32x10000xi32, #tpu.memory_space<hbm>> -> memref<1x10000xi32, #tpu.memory_space<hbm>>
      %dma_start3A_48 = tpu.memref_squeeze %dma_start3A_47 : memref<1x10000xi32, #tpu.memory_space<hbm>> -> memref<10000xi32, #tpu.memory_space<hbm>>
      %dma_start3A_49 = arith.constant 0 : i32
      %dma_start3A_50 = tpu.memref_slice %arg3[%add3A, %dma_start3A_49] : memref<32x10000xi32, #tpu.memory_space<hbm>> -> memref<1x10000xi32, #tpu.memory_space<hbm>>
      %dma_start3A_51 = tpu.memref_squeeze %dma_start3A_50 : memref<1x10000xi32, #tpu.memory_space<hbm>> -> memref<10000xi32, #tpu.memory_space<hbm>>
      tpu.enqueue_dma source(%dma_start3A_51 : memref<10000xi32, #tpu.memory_space<hbm>>) target(%arg7 : memref<10000xi32, #tpu.memory_space<vmem>>) target_semaphore(%run_scoped3A : memref<!tpu.dma_semaphore, #tpu.memory_space<semaphore_mem>>)
      %dma_wait3A_52 = arith.constant 0 : i32
      %dma_wait3A_53 = tpu.memref_slice %arg3[%add3A, %dma_wait3A_52] : memref<32x10000xi32, #tpu.memory_space<hbm>> -> memref<1x10000xi32, #tpu.memory_space<hbm>>
      %dma_wait3A_54 = tpu.memref_squeeze %dma_wait3A_53 : memref<1x10000xi32, #tpu.memory_space<hbm>> -> memref<10000xi32, #tpu.memory_space<hbm>>
      %dma_wait3A_55 = arith.constant 0 : i32
      %dma_wait3A_56 = tpu.memref_slice %arg3[%add3A, %dma_wait3A_55] : memref<32x10000xi32, #tpu.memory_space<hbm>> -> memref<1x10000xi32, #tpu.memory_space<hbm>>
      %dma_wait3A_57 = tpu.memref_squeeze %dma_wait3A_56 : memref<1x10000xi32, #tpu.memory_space<hbm>> -> memref<10000xi32, #tpu.memory_space<hbm>>
      tpu.wait_dma2 semaphore(%run_scoped3A : memref<!tpu.dma_semaphore, #tpu.memory_space<semaphore_mem>>) src(%dma_wait3A_57 : memref<10000xi32, #tpu.memory_space<hbm>>) dst(%arg7 : memref<10000xi32, #tpu.memory_space<vmem>>)
      tpu.yield
    }) : () -> ()
    "tpu.region"() ({
      %run_scoped3A = tpu.sem_alloc : memref<!tpu.dma_semaphore, #tpu.memory_space<semaphore_mem>>
      %dma_start3A_46 = arith.constant 0 : i32
      %dma_start3A_47 = tpu.memref_slice %arg4[%add3A, %dma_start3A_46] : memref<32x10000xi32, #tpu.memory_space<hbm>> -> memref<1x10000xi32, #tpu.memory_space<hbm>>
      %dma_start3A_48 = tpu.memref_squeeze %dma_start3A_47 : memref<1x10000xi32, #tpu.memory_space<hbm>> -> memref<10000xi32, #tpu.memory_space<hbm>>
      %dma_start3A_49 = arith.constant 0 : i32
      %dma_start3A_50 = tpu.memref_slice %arg4[%add3A, %dma_start3A_49] : memref<32x10000xi32, #tpu.memory_space<hbm>> -> memref<1x10000xi32, #tpu.memory_space<hbm>>
      %dma_start3A_51 = tpu.memref_squeeze %dma_start3A_50 : memref<1x10000xi32, #tpu.memory_space<hbm>> -> memref<10000xi32, #tpu.memory_space<hbm>>
      tpu.enqueue_dma source(%dma_start3A_51 : memref<10000xi32, #tpu.memory_space<hbm>>) target(%arg8 : memref<10000xi32, #tpu.memory_space<vmem>>) target_semaphore(%run_scoped3A : memref<!tpu.dma_semaphore, #tpu.memory_space<semaphore_mem>>)
      %dma_wait3A_52 = arith.constant 0 : i32
      %dma_wait3A_53 = tpu.memref_slice %arg4[%add3A, %dma_wait3A_52] : memref<32x10000xi32, #tpu.memory_space<hbm>> -> memref<1x10000xi32, #tpu.memory_space<hbm>>
      %dma_wait3A_54 = tpu.memref_squeeze %dma_wait3A_53 : memref<1x10000xi32, #tpu.memory_space<hbm>> -> memref<10000xi32, #tpu.memory_space<hbm>>
      %dma_wait3A_55 = arith.constant 0 : i32
      %dma_wait3A_56 = tpu.memref_slice %arg4[%add3A, %dma_wait3A_55] : memref<32x10000xi32, #tpu.memory_space<hbm>> -> memref<1x10000xi32, #tpu.memory_space<hbm>>
      %dma_wait3A_57 = tpu.memref_squeeze %dma_wait3A_56 : memref<1x10000xi32, #tpu.memory_space<hbm>> -> memref<10000xi32, #tpu.memory_space<hbm>>
      tpu.wait_dma2 semaphore(%run_scoped3A : memref<!tpu.dma_semaphore, #tpu.memory_space<semaphore_mem>>) src(%dma_wait3A_57 : memref<10000xi32, #tpu.memory_space<hbm>>) dst(%arg8 : memref<10000xi32, #tpu.memory_space<vmem>>)
      tpu.yield
    }) : () -> ()
    %lt3A = arith.constant 15 : i32
    %lt3A_1 = arith.cmpi slt, %arg1, %lt3A : i32
    %convert_element_type3A = arith.extui %lt3A_1 : i1 to i32
    %cond3A = arith.constant 0 : i32
    %cond3A_2 = arith.cmpi ne, %convert_element_type3A, %cond3A : i32
    scf.if %cond3A_2 {
      %mul3A_46 = arith.constant 624 : i32
      %mul3A_47 = arith.muli %arg1, %mul3A_46 : i32
      %mul3A_48 = arith.constant 624 : i32
      %mul3A_49 = arith.muli %arg1, %mul3A_48 : i32
      "tpu.region"() ({
        %run_scoped3A = tpu.sem_alloc : memref<!tpu.dma_semaphore, #tpu.memory_space<semaphore_mem>>
        %dma_start3A_50 = arith.constant 0 : i32
        %dma_start3A_51 = tpu.memref_slice %arg12[%mul3A_49, %dma_start3A_50] : memref<10000x128xf32, #tpu.memory_space<vmem_shared>> -> memref<624x128xf32, #tpu.memory_space<vmem_shared>>
        %dma_start3A_52 = arith.constant 0 : i32
        %dma_start3A_53 = tpu.memref_slice %arg5[%mul3A_47, %dma_start3A_52] : memref<10000x128xf32, #tpu.memory_space<hbm>> -> memref<624x128xf32, #tpu.memory_space<hbm>>
        tpu.enqueue_dma source(%dma_start3A_53 : memref<624x128xf32, #tpu.memory_space<hbm>>) target(%dma_start3A_51 : memref<624x128xf32, #tpu.memory_space<vmem_shared>>) target_semaphore(%run_scoped3A : memref<!tpu.dma_semaphore, #tpu.memory_space<semaphore_mem>>)
        %dma_wait3A_54 = arith.constant 0 : i32
        %dma_wait3A_55 = tpu.memref_slice %arg12[%mul3A_49, %dma_wait3A_54] : memref<10000x128xf32, #tpu.memory_space<vmem_shared>> -> memref<624x128xf32, #tpu.memory_space<vmem_shared>>
        %dma_wait3A_56 = arith.constant 0 : i32
        %dma_wait3A_57 = tpu.memref_slice %arg5[%mul3A_47, %dma_wait3A_56] : memref<10000x128xf32, #tpu.memory_space<hbm>> -> memref<624x128xf32, #tpu.memory_space<hbm>>
        tpu.wait_dma2 semaphore(%run_scoped3A : memref<!tpu.dma_semaphore, #tpu.memory_space<semaphore_mem>>) src(%dma_wait3A_57 : memref<624x128xf32, #tpu.memory_space<hbm>>) dst(%dma_wait3A_55 : memref<624x128xf32, #tpu.memory_space<vmem_shared>>)
        tpu.yield
      }) : () -> ()
    } else {
    }
    %eq3A = arith.constant 15 : i32
    %eq3A_3 = arith.cmpi eq, %arg1, %eq3A : i32
    %convert_element_type3A_4 = arith.extui %eq3A_3 : i1 to i32
    %cond3A_5 = arith.constant 0 : i32
    %cond3A_6 = arith.cmpi ne, %convert_element_type3A_4, %cond3A_5 : i32
    scf.if %cond3A_6 {
      "tpu.region"() ({
        %run_scoped3A = tpu.sem_alloc : memref<!tpu.dma_semaphore, #tpu.memory_space<semaphore_mem>>
        %dma_start3A_46 = arith.constant 9360 : i32
        %dma_start3A_47 = arith.constant 0 : i32
        %dma_start3A_48 = tpu.memref_slice %arg12[%dma_start3A_46, %dma_start3A_47] : memref<10000x128xf32, #tpu.memory_space<vmem_shared>> -> memref<640x128xf32, #tpu.memory_space<vmem_shared>>
        %dma_start3A_49 = arith.constant 9360 : i32
        %dma_start3A_50 = arith.constant 0 : i32
        %dma_start3A_51 = tpu.memref_slice %arg5[%dma_start3A_49, %dma_start3A_50] : memref<10000x128xf32, #tpu.memory_space<hbm>> -> memref<640x128xf32, #tpu.memory_space<hbm>>
        tpu.enqueue_dma source(%dma_start3A_51 : memref<640x128xf32, #tpu.memory_space<hbm>>) target(%dma_start3A_48 : memref<640x128xf32, #tpu.memory_space<vmem_shared>>) target_semaphore(%run_scoped3A : memref<!tpu.dma_semaphore, #tpu.memory_space<semaphore_mem>>)
        %dma_wait3A_52 = arith.constant 9360 : i32
        %dma_wait3A_53 = arith.constant 0 : i32
        %dma_wait3A_54 = tpu.memref_slice %arg12[%dma_wait3A_52, %dma_wait3A_53] : memref<10000x128xf32, #tpu.memory_space<vmem_shared>> -> memref<640x128xf32, #tpu.memory_space<vmem_shared>>
        %dma_wait3A_55 = arith.constant 9360 : i32
        %dma_wait3A_56 = arith.constant 0 : i32
        %dma_wait3A_57 = tpu.memref_slice %arg5[%dma_wait3A_55, %dma_wait3A_56] : memref<10000x128xf32, #tpu.memory_space<hbm>> -> memref<640x128xf32, #tpu.memory_space<hbm>>
        tpu.wait_dma2 semaphore(%run_scoped3A : memref<!tpu.dma_semaphore, #tpu.memory_space<semaphore_mem>>) src(%dma_wait3A_57 : memref<640x128xf32, #tpu.memory_space<hbm>>) dst(%dma_wait3A_54 : memref<640x128xf32, #tpu.memory_space<vmem_shared>>)
        tpu.yield
      }) : () -> ()
    } else {
    }
    %barrier3A = arith.constant 0 : index
    tpu.barrier barrier_id(%barrier3A)
    %dma_start3A = arith.constant 0 : i32
    %dma_start3A_7 = tpu.memref_slice %arg7[%dma_start3A] : memref<10000xi32, #tpu.memory_space<vmem>> -> memref<80xi32, #tpu.memory_space<vmem>>
    %dma_start3A_8 = arith.constant 0 : i32
    %dma_start3A_9 = arith.constant 0 : i32
    %dma_start3A_10 = tpu.memref_slice %arg2[%dma_start3A_8, %dma_start3A_9] : memref<10000x128xf32, #tpu.memory_space<hbm>> -> memref<10000x128xf32, #tpu.memory_space<hbm>>
    tpu.enqueue_indirect_dma source(%dma_start3A_10 : memref<10000x128xf32, #tpu.memory_space<hbm>>) target(%arg9 : memref<80x128xf32, #tpu.memory_space<vmem>>) offsets(%dma_start3A_7 : memref<80xi32, #tpu.memory_space<vmem>>) semaphore(%arg13 : memref<!tpu.dma_semaphore, #tpu.memory_space<semaphore_mem>>)
    %dma_start3A_11 = arith.constant 80 : i32
    %dma_start3A_12 = tpu.memref_slice %arg7[%dma_start3A_11] : memref<10000xi32, #tpu.memory_space<vmem>> -> memref<80xi32, #tpu.memory_space<vmem>>
    %dma_start3A_13 = arith.constant 0 : i32
    %dma_start3A_14 = arith.constant 0 : i32
    %dma_start3A_15 = tpu.memref_slice %arg2[%dma_start3A_13, %dma_start3A_14] : memref<10000x128xf32, #tpu.memory_space<hbm>> -> memref<10000x128xf32, #tpu.memory_space<hbm>>
    tpu.enqueue_indirect_dma source(%dma_start3A_15 : memref<10000x128xf32, #tpu.memory_space<hbm>>) target(%arg10 : memref<80x128xf32, #tpu.memory_space<vmem>>) offsets(%dma_start3A_12 : memref<80xi32, #tpu.memory_space<vmem>>) semaphore(%arg14 : memref<!tpu.dma_semaphore, #tpu.memory_space<semaphore_mem>>)
    %dma_start3A_16 = arith.constant 160 : i32
    %dma_start3A_17 = tpu.memref_slice %arg7[%dma_start3A_16] : memref<10000xi32, #tpu.memory_space<vmem>> -> memref<80xi32, #tpu.memory_space<vmem>>
    %dma_start3A_18 = arith.constant 0 : i32
    %dma_start3A_19 = arith.constant 0 : i32
    %dma_start3A_20 = tpu.memref_slice %arg2[%dma_start3A_18, %dma_start3A_19] : memref<10000x128xf32, #tpu.memory_space<hbm>> -> memref<10000x128xf32, #tpu.memory_space<hbm>>
    tpu.enqueue_indirect_dma source(%dma_start3A_20 : memref<10000x128xf32, #tpu.memory_space<hbm>>) target(%arg11 : memref<80x128xf32, #tpu.memory_space<vmem>>) offsets(%dma_start3A_17 : memref<80xi32, #tpu.memory_space<vmem>>) semaphore(%arg15 : memref<!tpu.dma_semaphore, #tpu.memory_space<semaphore_mem>>)
    %scan3A = arith.constant 0 : i32
    %scan3A_21 = arith.constant 0 : i32
    %scan3A_22 = arith.constant 41 : i32
    %scan3A_23 = arith.addi %scan3A_21, %scan3A_22 : i32
    %scan3A_24 = arith.constant 1 : i32
    scf.for %scan3A_46 = %scan3A_21 to %scan3A_23 step %scan3A_24  : i32 {
      %mul3A_47 = arith.constant 3 : i32
      %mul3A_48 = arith.muli %scan3A_46, %mul3A_47 : i32
      %add3A_49 = arith.constant 0 : i32
      %add3A_50 = arith.addi %mul3A_48, %add3A_49 : i32
      %mul3A_51 = arith.constant 80 : i32
      %mul3A_52 = arith.muli %add3A_50, %mul3A_51 : i32
      %dma_wait3A_53 = tpu.memref_slice %arg7[%mul3A_52] : memref<10000xi32, #tpu.memory_space<vmem>> -> memref<80xi32, #tpu.memory_space<vmem>>
      %dma_wait3A_54 = arith.constant 0 : i32
      %dma_wait3A_55 = arith.constant 0 : i32
      %dma_wait3A_56 = tpu.memref_slice %arg2[%dma_wait3A_54, %dma_wait3A_55] : memref<10000x128xf32, #tpu.memory_space<hbm>> -> memref<10000x128xf32, #tpu.memory_space<hbm>>
      tpu.wait_indirect_dma semaphore(%arg13 : memref<!tpu.dma_semaphore, #tpu.memory_space<semaphore_mem>>) src(%dma_wait3A_56 : memref<10000x128xf32, #tpu.memory_space<hbm>>) dst(%arg9 : memref<80x128xf32, #tpu.memory_space<vmem>>)
      %mul3A_57 = arith.constant 80 : i32
      %mul3A_58 = arith.muli %add3A_50, %mul3A_57 : i32
      "tpu.region"() ({
        %run_scoped3A = tpu.sem_alloc : memref<!tpu.dma_semaphore, #tpu.memory_space<semaphore_mem>>
        %dma_start3A_94 = tpu.memref_slice %arg8[%mul3A_58] : memref<10000xi32, #tpu.memory_space<vmem>> -> memref<80xi32, #tpu.memory_space<vmem>>
        %dma_start3A_95 = arith.constant 0 : i32
        %dma_start3A_96 = arith.constant 0 : i32
        %dma_start3A_97 = tpu.memref_slice %arg12[%dma_start3A_95, %dma_start3A_96] : memref<10000x128xf32, #tpu.memory_space<vmem_shared>> -> memref<10000x128xf32, #tpu.memory_space<vmem_shared>>
        tpu.enqueue_indirect_dma source(%arg9 : memref<80x128xf32, #tpu.memory_space<vmem>>) target(%dma_start3A_97 : memref<10000x128xf32, #tpu.memory_space<vmem_shared>>) offsets(%dma_start3A_94 : memref<80xi32, #tpu.memory_space<vmem>>) semaphore(%run_scoped3A : memref<!tpu.dma_semaphore, #tpu.memory_space<semaphore_mem>>) {add = true}
        %dma_wait3A_98 = tpu.memref_slice %arg8[%mul3A_58] : memref<10000xi32, #tpu.memory_space<vmem>> -> memref<80xi32, #tpu.memory_space<vmem>>
        %dma_wait3A_99 = arith.constant 0 : i32
        %dma_wait3A_100 = arith.constant 0 : i32
        %dma_wait3A_101 = tpu.memref_slice %arg12[%dma_wait3A_99, %dma_wait3A_100] : memref<10000x128xf32, #tpu.memory_space<vmem_shared>> -> memref<10000x128xf32, #tpu.memory_space<vmem_shared>>
        tpu.wait_indirect_dma semaphore(%run_scoped3A : memref<!tpu.dma_semaphore, #tpu.memory_space<semaphore_mem>>) src(%arg9 : memref<80x128xf32, #tpu.memory_space<vmem>>) dst(%dma_wait3A_101 : memref<10000x128xf32, #tpu.memory_space<vmem_shared>>)
        tpu.yield
      }) : () -> ()
      %lt3A_59 = arith.constant 122 : i32
      %lt3A_60 = arith.cmpi slt, %add3A_50, %lt3A_59 : i32
      %convert_element_type3A_61 = arith.extui %lt3A_60 : i1 to i32
      %cond3A_62 = arith.constant 0 : i32
      %cond3A_63 = arith.cmpi ne, %convert_element_type3A_61, %cond3A_62 : i32
      scf.if %cond3A_63 {
        %add3A_94 = arith.constant 3 : i32
        %add3A_95 = arith.addi %add3A_50, %add3A_94 : i32
        %mul3A_96 = arith.constant 80 : i32
        %mul3A_97 = arith.muli %add3A_95, %mul3A_96 : i32
        %dma_start3A_98 = tpu.memref_slice %arg7[%mul3A_97] : memref<10000xi32, #tpu.memory_space<vmem>> -> memref<80xi32, #tpu.memory_space<vmem>>
        %dma_start3A_99 = arith.constant 0 : i32
        %dma_start3A_100 = arith.constant 0 : i32
        %dma_start3A_101 = tpu.memref_slice %arg2[%dma_start3A_99, %dma_start3A_100] : memref<10000x128xf32, #tpu.memory_space<hbm>> -> memref<10000x128xf32, #tpu.memory_space<hbm>>
        tpu.enqueue_indirect_dma source(%dma_start3A_101 : memref<10000x128xf32, #tpu.memory_space<hbm>>) target(%arg9 : memref<80x128xf32, #tpu.memory_space<vmem>>) offsets(%dma_start3A_98 : memref<80xi32, #tpu.memory_space<vmem>>) semaphore(%arg13 : memref<!tpu.dma_semaphore, #tpu.memory_space<semaphore_mem>>)
      } else {
      }
      %add3A_64 = arith.constant 1 : i32
      %add3A_65 = arith.addi %mul3A_48, %add3A_64 : i32
      %mul3A_66 = arith.constant 80 : i32
      %mul3A_67 = arith.muli %add3A_65, %mul3A_66 : i32
      %dma_wait3A_68 = tpu.memref_slice %arg7[%mul3A_67] : memref<10000xi32, #tpu.memory_space<vmem>> -> memref<80xi32, #tpu.memory_space<vmem>>
      %dma_wait3A_69 = arith.constant 0 : i32
      %dma_wait3A_70 = arith.constant 0 : i32
      %dma_wait3A_71 = tpu.memref_slice %arg2[%dma_wait3A_69, %dma_wait3A_70] : memref<10000x128xf32, #tpu.memory_space<hbm>> -> memref<10000x128xf32, #tpu.memory_space<hbm>>
      tpu.wait_indirect_dma semaphore(%arg14 : memref<!tpu.dma_semaphore, #tpu.memory_space<semaphore_mem>>) src(%dma_wait3A_71 : memref<10000x128xf32, #tpu.memory_space<hbm>>) dst(%arg10 : memref<80x128xf32, #tpu.memory_space<vmem>>)
      %mul3A_72 = arith.constant 80 : i32
      %mul3A_73 = arith.muli %add3A_65, %mul3A_72 : i32
      "tpu.region"() ({
        %run_scoped3A = tpu.sem_alloc : memref<!tpu.dma_semaphore, #tpu.memory_space<semaphore_mem>>
        %dma_start3A_94 = tpu.memref_slice %arg8[%mul3A_73] : memref<10000xi32, #tpu.memory_space<vmem>> -> memref<80xi32, #tpu.memory_space<vmem>>
        %dma_start3A_95 = arith.constant 0 : i32
        %dma_start3A_96 = arith.constant 0 : i32
        %dma_start3A_97 = tpu.memref_slice %arg12[%dma_start3A_95, %dma_start3A_96] : memref<10000x128xf32, #tpu.memory_space<vmem_shared>> -> memref<10000x128xf32, #tpu.memory_space<vmem_shared>>
        tpu.enqueue_indirect_dma source(%arg10 : memref<80x128xf32, #tpu.memory_space<vmem>>) target(%dma_start3A_97 : memref<10000x128xf32, #tpu.memory_space<vmem_shared>>) offsets(%dma_start3A_94 : memref<80xi32, #tpu.memory_space<vmem>>) semaphore(%run_scoped3A : memref<!tpu.dma_semaphore, #tpu.memory_space<semaphore_mem>>) {add = true}
        %dma_wait3A_98 = tpu.memref_slice %arg8[%mul3A_73] : memref<10000xi32, #tpu.memory_space<vmem>> -> memref<80xi32, #tpu.memory_space<vmem>>
        %dma_wait3A_99 = arith.constant 0 : i32
        %dma_wait3A_100 = arith.constant 0 : i32
        %dma_wait3A_101 = tpu.memref_slice %arg12[%dma_wait3A_99, %dma_wait3A_100] : memref<10000x128xf32, #tpu.memory_space<vmem_shared>> -> memref<10000x128xf32, #tpu.memory_space<vmem_shared>>
        tpu.wait_indirect_dma semaphore(%run_scoped3A : memref<!tpu.dma_semaphore, #tpu.memory_space<semaphore_mem>>) src(%arg10 : memref<80x128xf32, #tpu.memory_space<vmem>>) dst(%dma_wait3A_101 : memref<10000x128xf32, #tpu.memory_space<vmem_shared>>)
        tpu.yield
      }) : () -> ()
      %lt3A_74 = arith.constant 122 : i32
      %lt3A_75 = arith.cmpi slt, %add3A_65, %lt3A_74 : i32
      %convert_element_type3A_76 = arith.extui %lt3A_75 : i1 to i32
      %cond3A_77 = arith.constant 0 : i32
      %cond3A_78 = arith.cmpi ne, %convert_element_type3A_76, %cond3A_77 : i32
      scf.if %cond3A_78 {
        %add3A_94 = arith.constant 3 : i32
        %add3A_95 = arith.addi %add3A_65, %add3A_94 : i32
        %mul3A_96 = arith.constant 80 : i32
        %mul3A_97 = arith.muli %add3A_95, %mul3A_96 : i32
        %dma_start3A_98 = tpu.memref_slice %arg7[%mul3A_97] : memref<10000xi32, #tpu.memory_space<vmem>> -> memref<80xi32, #tpu.memory_space<vmem>>
        %dma_start3A_99 = arith.constant 0 : i32
        %dma_start3A_100 = arith.constant 0 : i32
        %dma_start3A_101 = tpu.memref_slice %arg2[%dma_start3A_99, %dma_start3A_100] : memref<10000x128xf32, #tpu.memory_space<hbm>> -> memref<10000x128xf32, #tpu.memory_space<hbm>>
        tpu.enqueue_indirect_dma source(%dma_start3A_101 : memref<10000x128xf32, #tpu.memory_space<hbm>>) target(%arg10 : memref<80x128xf32, #tpu.memory_space<vmem>>) offsets(%dma_start3A_98 : memref<80xi32, #tpu.memory_space<vmem>>) semaphore(%arg14 : memref<!tpu.dma_semaphore, #tpu.memory_space<semaphore_mem>>)
      } else {
      }
      %add3A_79 = arith.constant 2 : i32
      %add3A_80 = arith.addi %mul3A_48, %add3A_79 : i32
      %mul3A_81 = arith.constant 80 : i32
      %mul3A_82 = arith.muli %add3A_80, %mul3A_81 : i32
      %dma_wait3A_83 = tpu.memref_slice %arg7[%mul3A_82] : memref<10000xi32, #tpu.memory_space<vmem>> -> memref<80xi32, #tpu.memory_space<vmem>>
      %dma_wait3A_84 = arith.constant 0 : i32
      %dma_wait3A_85 = arith.constant 0 : i32
      %dma_wait3A_86 = tpu.memref_slice %arg2[%dma_wait3A_84, %dma_wait3A_85] : memref<10000x128xf32, #tpu.memory_space<hbm>> -> memref<10000x128xf32, #tpu.memory_space<hbm>>
      tpu.wait_indirect_dma semaphore(%arg15 : memref<!tpu.dma_semaphore, #tpu.memory_space<semaphore_mem>>) src(%dma_wait3A_86 : memref<10000x128xf32, #tpu.memory_space<hbm>>) dst(%arg11 : memref<80x128xf32, #tpu.memory_space<vmem>>)
      %mul3A_87 = arith.constant 80 : i32
      %mul3A_88 = arith.muli %add3A_80, %mul3A_87 : i32
      "tpu.region"() ({
        %run_scoped3A = tpu.sem_alloc : memref<!tpu.dma_semaphore, #tpu.memory_space<semaphore_mem>>
        %dma_start3A_94 = tpu.memref_slice %arg8[%mul3A_88] : memref<10000xi32, #tpu.memory_space<vmem>> -> memref<80xi32, #tpu.memory_space<vmem>>
        %dma_start3A_95 = arith.constant 0 : i32
        %dma_start3A_96 = arith.constant 0 : i32
        %dma_start3A_97 = tpu.memref_slice %arg12[%dma_start3A_95, %dma_start3A_96] : memref<10000x128xf32, #tpu.memory_space<vmem_shared>> -> memref<10000x128xf32, #tpu.memory_space<vmem_shared>>
        tpu.enqueue_indirect_dma source(%arg11 : memref<80x128xf32, #tpu.memory_space<vmem>>) target(%dma_start3A_97 : memref<10000x128xf32, #tpu.memory_space<vmem_shared>>) offsets(%dma_start3A_94 : memref<80xi32, #tpu.memory_space<vmem>>) semaphore(%run_scoped3A : memref<!tpu.dma_semaphore, #tpu.memory_space<semaphore_mem>>) {add = true}
        %dma_wait3A_98 = tpu.memref_slice %arg8[%mul3A_88] : memref<10000xi32, #tpu.memory_space<vmem>> -> memref<80xi32, #tpu.memory_space<vmem>>
        %dma_wait3A_99 = arith.constant 0 : i32
        %dma_wait3A_100 = arith.constant 0 : i32
        %dma_wait3A_101 = tpu.memref_slice %arg12[%dma_wait3A_99, %dma_wait3A_100] : memref<10000x128xf32, #tpu.memory_space<vmem_shared>> -> memref<10000x128xf32, #tpu.memory_space<vmem_shared>>
        tpu.wait_indirect_dma semaphore(%run_scoped3A : memref<!tpu.dma_semaphore, #tpu.memory_space<semaphore_mem>>) src(%arg11 : memref<80x128xf32, #tpu.memory_space<vmem>>) dst(%dma_wait3A_101 : memref<10000x128xf32, #tpu.memory_space<vmem_shared>>)
        tpu.yield
      }) : () -> ()
      %lt3A_89 = arith.constant 122 : i32
      %lt3A_90 = arith.cmpi slt, %add3A_80, %lt3A_89 : i32
      %convert_element_type3A_91 = arith.extui %lt3A_90 : i1 to i32
      %cond3A_92 = arith.constant 0 : i32
      %cond3A_93 = arith.cmpi ne, %convert_element_type3A_91, %cond3A_92 : i32
      scf.if %cond3A_93 {
        %add3A_94 = arith.constant 3 : i32
        %add3A_95 = arith.addi %add3A_80, %add3A_94 : i32
        %mul3A_96 = arith.constant 80 : i32
        %mul3A_97 = arith.muli %add3A_95, %mul3A_96 : i32
        %dma_start3A_98 = tpu.memref_slice %arg7[%mul3A_97] : memref<10000xi32, #tpu.memory_space<vmem>> -> memref<80xi32, #tpu.memory_space<vmem>>
        %dma_start3A_99 = arith.constant 0 : i32
        %dma_start3A_100 = arith.constant 0 : i32
        %dma_start3A_101 = tpu.memref_slice %arg2[%dma_start3A_99, %dma_start3A_100] : memref<10000x128xf32, #tpu.memory_space<hbm>> -> memref<10000x128xf32, #tpu.memory_space<hbm>>
        tpu.enqueue_indirect_dma source(%dma_start3A_101 : memref<10000x128xf32, #tpu.memory_space<hbm>>) target(%arg11 : memref<80x128xf32, #tpu.memory_space<vmem>>) offsets(%dma_start3A_98 : memref<80xi32, #tpu.memory_space<vmem>>) semaphore(%arg15 : memref<!tpu.dma_semaphore, #tpu.memory_space<semaphore_mem>>)
      } else {
      }
    }
    %scan3A_25 = arith.constant 41 : i32
    %dma_wait3A = arith.constant 9840 : i32
    %dma_wait3A_26 = tpu.memref_slice %arg7[%dma_wait3A] : memref<10000xi32, #tpu.memory_space<vmem>> -> memref<80xi32, #tpu.memory_space<vmem>>
    %dma_wait3A_27 = arith.constant 0 : i32
    %dma_wait3A_28 = arith.constant 0 : i32
    %dma_wait3A_29 = tpu.memref_slice %arg2[%dma_wait3A_27, %dma_wait3A_28] : memref<10000x128xf32, #tpu.memory_space<hbm>> -> memref<10000x128xf32, #tpu.memory_space<hbm>>
    tpu.wait_indirect_dma semaphore(%arg13 : memref<!tpu.dma_semaphore, #tpu.memory_space<semaphore_mem>>) src(%dma_wait3A_29 : memref<10000x128xf32, #tpu.memory_space<hbm>>) dst(%arg9 : memref<80x128xf32, #tpu.memory_space<vmem>>)
    "tpu.region"() ({
      %run_scoped3A = tpu.sem_alloc : memref<!tpu.dma_semaphore, #tpu.memory_space<semaphore_mem>>
      %dma_start3A_46 = arith.constant 9840 : i32
      %dma_start3A_47 = tpu.memref_slice %arg8[%dma_start3A_46] : memref<10000xi32, #tpu.memory_space<vmem>> -> memref<80xi32, #tpu.memory_space<vmem>>
      %dma_start3A_48 = arith.constant 0 : i32
      %dma_start3A_49 = arith.constant 0 : i32
      %dma_start3A_50 = tpu.memref_slice %arg12[%dma_start3A_48, %dma_start3A_49] : memref<10000x128xf32, #tpu.memory_space<vmem_shared>> -> memref<10000x128xf32, #tpu.memory_space<vmem_shared>>
      tpu.enqueue_indirect_dma source(%arg9 : memref<80x128xf32, #tpu.memory_space<vmem>>) target(%dma_start3A_50 : memref<10000x128xf32, #tpu.memory_space<vmem_shared>>) offsets(%dma_start3A_47 : memref<80xi32, #tpu.memory_space<vmem>>) semaphore(%run_scoped3A : memref<!tpu.dma_semaphore, #tpu.memory_space<semaphore_mem>>) {add = true}
      %dma_wait3A_51 = arith.constant 9840 : i32
      %dma_wait3A_52 = tpu.memref_slice %arg8[%dma_wait3A_51] : memref<10000xi32, #tpu.memory_space<vmem>> -> memref<80xi32, #tpu.memory_space<vmem>>
      %dma_wait3A_53 = arith.constant 0 : i32
      %dma_wait3A_54 = arith.constant 0 : i32
      %dma_wait3A_55 = tpu.memref_slice %arg12[%dma_wait3A_53, %dma_wait3A_54] : memref<10000x128xf32, #tpu.memory_space<vmem_shared>> -> memref<10000x128xf32, #tpu.memory_space<vmem_shared>>
      tpu.wait_indirect_dma semaphore(%run_scoped3A : memref<!tpu.dma_semaphore, #tpu.memory_space<semaphore_mem>>) src(%arg9 : memref<80x128xf32, #tpu.memory_space<vmem>>) dst(%dma_wait3A_55 : memref<10000x128xf32, #tpu.memory_space<vmem_shared>>)
      tpu.yield
    }) : () -> ()
    %dma_wait3A_30 = arith.constant 9920 : i32
    %dma_wait3A_31 = tpu.memref_slice %arg7[%dma_wait3A_30] : memref<10000xi32, #tpu.memory_space<vmem>> -> memref<80xi32, #tpu.memory_space<vmem>>
    %dma_wait3A_32 = arith.constant 0 : i32
    %dma_wait3A_33 = arith.constant 0 : i32
    %dma_wait3A_34 = tpu.memref_slice %arg2[%dma_wait3A_32, %dma_wait3A_33] : memref<10000x128xf32, #tpu.memory_space<hbm>> -> memref<10000x128xf32, #tpu.memory_space<hbm>>
    tpu.wait_indirect_dma semaphore(%arg14 : memref<!tpu.dma_semaphore, #tpu.memory_space<semaphore_mem>>) src(%dma_wait3A_34 : memref<10000x128xf32, #tpu.memory_space<hbm>>) dst(%arg10 : memref<80x128xf32, #tpu.memory_space<vmem>>)
    "tpu.region"() ({
      %run_scoped3A = tpu.sem_alloc : memref<!tpu.dma_semaphore, #tpu.memory_space<semaphore_mem>>
      %dma_start3A_46 = arith.constant 9920 : i32
      %dma_start3A_47 = tpu.memref_slice %arg8[%dma_start3A_46] : memref<10000xi32, #tpu.memory_space<vmem>> -> memref<80xi32, #tpu.memory_space<vmem>>
      %dma_start3A_48 = arith.constant 0 : i32
      %dma_start3A_49 = arith.constant 0 : i32
      %dma_start3A_50 = tpu.memref_slice %arg12[%dma_start3A_48, %dma_start3A_49] : memref<10000x128xf32, #tpu.memory_space<vmem_shared>> -> memref<10000x128xf32, #tpu.memory_space<vmem_shared>>
      tpu.enqueue_indirect_dma source(%arg10 : memref<80x128xf32, #tpu.memory_space<vmem>>) target(%dma_start3A_50 : memref<10000x128xf32, #tpu.memory_space<vmem_shared>>) offsets(%dma_start3A_47 : memref<80xi32, #tpu.memory_space<vmem>>) semaphore(%run_scoped3A : memref<!tpu.dma_semaphore, #tpu.memory_space<semaphore_mem>>) {add = true}
      %dma_wait3A_51 = arith.constant 9920 : i32
      %dma_wait3A_52 = tpu.memref_slice %arg8[%dma_wait3A_51] : memref<10000xi32, #tpu.memory_space<vmem>> -> memref<80xi32, #tpu.memory_space<vmem>>
      %dma_wait3A_53 = arith.constant 0 : i32
      %dma_wait3A_54 = arith.constant 0 : i32
      %dma_wait3A_55 = tpu.memref_slice %arg12[%dma_wait3A_53, %dma_wait3A_54] : memref<10000x128xf32, #tpu.memory_space<vmem_shared>> -> memref<10000x128xf32, #tpu.memory_space<vmem_shared>>
      tpu.wait_indirect_dma semaphore(%run_scoped3A : memref<!tpu.dma_semaphore, #tpu.memory_space<semaphore_mem>>) src(%arg10 : memref<80x128xf32, #tpu.memory_space<vmem>>) dst(%dma_wait3A_55 : memref<10000x128xf32, #tpu.memory_space<vmem_shared>>)
      tpu.yield
    }) : () -> ()
    %barrier3A_35 = arith.constant 0 : index
    tpu.barrier barrier_id(%barrier3A_35)
    %lt3A_36 = arith.constant 15 : i32
    %lt3A_37 = arith.cmpi slt, %arg1, %lt3A_36 : i32
    %convert_element_type3A_38 = arith.extui %lt3A_37 : i1 to i32
    %cond3A_39 = arith.constant 0 : i32
    %cond3A_40 = arith.cmpi ne, %convert_element_type3A_38, %cond3A_39 : i32
    scf.if %cond3A_40 {
      %mul3A_46 = arith.constant 624 : i32
      %mul3A_47 = arith.muli %arg1, %mul3A_46 : i32
      %mul3A_48 = arith.constant 624 : i32
      %mul3A_49 = arith.muli %arg1, %mul3A_48 : i32
      "tpu.region"() ({
        %run_scoped3A = tpu.sem_alloc : memref<!tpu.dma_semaphore, #tpu.memory_space<semaphore_mem>>
        %dma_start3A_50 = arith.constant 0 : i32
        %dma_start3A_51 = arith.constant 0 : i32
        %dma_start3A_52 = tpu.memref_slice %arg6[%arg0, %dma_start3A_50, %dma_start3A_51] : memref<2x10000x128xf32, #tpu.memory_space<hbm>> -> memref<1x10000x128xf32, #tpu.memory_space<hbm>>
        %dma_start3A_53 = tpu.memref_squeeze %dma_start3A_52 : memref<1x10000x128xf32, #tpu.memory_space<hbm>> -> memref<10000x128xf32, #tpu.memory_space<hbm>>
        %dma_start3A_54 = arith.constant 0 : i32
        %dma_start3A_55 = tpu.memref_slice %dma_start3A_53[%mul3A_49, %dma_start3A_54] : memref<10000x128xf32, #tpu.memory_space<hbm>> -> memref<624x128xf32, #tpu.memory_space<hbm>>
        %dma_start3A_56 = arith.constant 0 : i32
        %dma_start3A_57 = tpu.memref_slice %arg12[%mul3A_47, %dma_start3A_56] : memref<10000x128xf32, #tpu.memory_space<vmem_shared>> -> memref<624x128xf32, #tpu.memory_space<vmem_shared>>
        tpu.enqueue_dma source(%dma_start3A_57 : memref<624x128xf32, #tpu.memory_space<vmem_shared>>) target(%dma_start3A_55 : memref<624x128xf32, #tpu.memory_space<hbm>>) target_semaphore(%run_scoped3A : memref<!tpu.dma_semaphore, #tpu.memory_space<semaphore_mem>>)
        %dma_wait3A_58 = arith.constant 0 : i32
        %dma_wait3A_59 = arith.constant 0 : i32
        %dma_wait3A_60 = tpu.memref_slice %arg6[%arg0, %dma_wait3A_58, %dma_wait3A_59] : memref<2x10000x128xf32, #tpu.memory_space<hbm>> -> memref<1x10000x128xf32, #tpu.memory_space<hbm>>
        %dma_wait3A_61 = tpu.memref_squeeze %dma_wait3A_60 : memref<1x10000x128xf32, #tpu.memory_space<hbm>> -> memref<10000x128xf32, #tpu.memory_space<hbm>>
        %dma_wait3A_62 = arith.constant 0 : i32
        %dma_wait3A_63 = tpu.memref_slice %dma_wait3A_61[%mul3A_49, %dma_wait3A_62] : memref<10000x128xf32, #tpu.memory_space<hbm>> -> memref<624x128xf32, #tpu.memory_space<hbm>>
        %dma_wait3A_64 = arith.constant 0 : i32
        %dma_wait3A_65 = tpu.memref_slice %arg12[%mul3A_47, %dma_wait3A_64] : memref<10000x128xf32, #tpu.memory_space<vmem_shared>> -> memref<624x128xf32, #tpu.memory_space<vmem_shared>>
        tpu.wait_dma2 semaphore(%run_scoped3A : memref<!tpu.dma_semaphore, #tpu.memory_space<semaphore_mem>>) src(%dma_wait3A_65 : memref<624x128xf32, #tpu.memory_space<vmem_shared>>) dst(%dma_wait3A_63 : memref<624x128xf32, #tpu.memory_space<hbm>>)
        tpu.yield
      }) : () -> ()
    } else {
    }
    %eq3A_41 = arith.constant 15 : i32
    %eq3A_42 = arith.cmpi eq, %arg1, %eq3A_41 : i32
    %convert_element_type3A_43 = arith.extui %eq3A_42 : i1 to i32
    %cond3A_44 = arith.constant 0 : i32
    %cond3A_45 = arith.cmpi ne, %convert_element_type3A_43, %cond3A_44 : i32
    scf.if %cond3A_45 {
      "tpu.region"() ({
        %run_scoped3A = tpu.sem_alloc : memref<!tpu.dma_semaphore, #tpu.memory_space<semaphore_mem>>
        %dma_start3A_46 = arith.constant 0 : i32
        %dma_start3A_47 = arith.constant 0 : i32
        %dma_start3A_48 = tpu.memref_slice %arg6[%arg0, %dma_start3A_46, %dma_start3A_47] : memref<2x10000x128xf32, #tpu.memory_space<hbm>> -> memref<1x10000x128xf32, #tpu.memory_space<hbm>>
        %dma_start3A_49 = tpu.memref_squeeze %dma_start3A_48 : memref<1x10000x128xf32, #tpu.memory_space<hbm>> -> memref<10000x128xf32, #tpu.memory_space<hbm>>
        %dma_start3A_50 = arith.constant 9360 : i32
        %dma_start3A_51 = arith.constant 0 : i32
        %dma_start3A_52 = tpu.memref_slice %dma_start3A_49[%dma_start3A_50, %dma_start3A_51] : memref<10000x128xf32, #tpu.memory_space<hbm>> -> memref<640x128xf32, #tpu.memory_space<hbm>>
        %dma_start3A_53 = arith.constant 9360 : i32
        %dma_start3A_54 = arith.constant 0 : i32
        %dma_start3A_55 = tpu.memref_slice %arg12[%dma_start3A_53, %dma_start3A_54] : memref<10000x128xf32, #tpu.memory_space<vmem_shared>> -> memref<640x128xf32, #tpu.memory_space<vmem_shared>>
        tpu.enqueue_dma source(%dma_start3A_55 : memref<640x128xf32, #tpu.memory_space<vmem_shared>>) target(%dma_start3A_52 : memref<640x128xf32, #tpu.memory_space<hbm>>) target_semaphore(%run_scoped3A : memref<!tpu.dma_semaphore, #tpu.memory_space<semaphore_mem>>)
        %dma_wait3A_56 = arith.constant 0 : i32
        %dma_wait3A_57 = arith.constant 0 : i32
        %dma_wait3A_58 = tpu.memref_slice %arg6[%arg0, %dma_wait3A_56, %dma_wait3A_57] : memref<2x10000x128xf32, #tpu.memory_space<hbm>> -> memref<1x10000x128xf32, #tpu.memory_space<hbm>>
        %dma_wait3A_59 = tpu.memref_squeeze %dma_wait3A_58 : memref<1x10000x128xf32, #tpu.memory_space<hbm>> -> memref<10000x128xf32, #tpu.memory_space<hbm>>
        %dma_wait3A_60 = arith.constant 9360 : i32
        %dma_wait3A_61 = arith.constant 0 : i32
        %dma_wait3A_62 = tpu.memref_slice %dma_wait3A_59[%dma_wait3A_60, %dma_wait3A_61] : memref<10000x128xf32, #tpu.memory_space<hbm>> -> memref<640x128xf32, #tpu.memory_space<hbm>>
        %dma_wait3A_63 = arith.constant 9360 : i32
        %dma_wait3A_64 = arith.constant 0 : i32
        %dma_wait3A_65 = tpu.memref_slice %arg12[%dma_wait3A_63, %dma_wait3A_64] : memref<10000x128xf32, #tpu.memory_space<vmem_shared>> -> memref<640x128xf32, #tpu.memory_space<vmem_shared>>
        tpu.wait_dma2 semaphore(%run_scoped3A : memref<!tpu.dma_semaphore, #tpu.memory_space<semaphore_mem>>) src(%dma_wait3A_65 : memref<640x128xf32, #tpu.memory_space<vmem_shared>>) dst(%dma_wait3A_62 : memref<640x128xf32, #tpu.memory_space<hbm>>)
        tpu.yield
      }) : () -> ()
    } else {
    }
    return
  }
}

#map = affine_map<(d0, d1) -> (0, 0)>
#map1 = affine_map<(d0, d1) -> (0, 0, 0)>
module attributes {stable_mosaic.version = 14 : i64} {
  func.func @_edge_kernel(%arg0: i32, %arg1: i32, %arg2: memref<10000x128xf32, #tpu.memory_space<hbm>>, %arg3: memref<32x10000xi32, #tpu.memory_space<hbm>>, %arg4: memref<32x10000xi32, #tpu.memory_space<hbm>>, %arg5: memref<10000x128xf32, #tpu.memory_space<hbm>>, %arg6: memref<2x10000x128xf32, #tpu.memory_space<hbm>>, %arg7: memref<10000xi32, #tpu.memory_space<vmem>>, %arg8: memref<10000xi32, #tpu.memory_space<vmem>>, %arg9: memref<80x128xf32, #tpu.memory_space<vmem>>, %arg10: memref<80x128xf32, #tpu.memory_space<vmem>>, %arg11: memref<80x128xf32, #tpu.memory_space<vmem>>, %arg12: memref<10000x128xf32, #tpu.memory_space<vmem_shared>>, %arg13: memref<!tpu.dma_semaphore, #tpu.memory_space<semaphore_mem>>, %arg14: memref<!tpu.dma_semaphore, #tpu.memory_space<semaphore_mem>>, %arg15: memref<!tpu.dma_semaphore, #tpu.memory_space<semaphore_mem>>) attributes {dimension_semantics = [#tpu.dimension_semantics<core_parallel>, #tpu.dimension_semantics<subcore_parallel>], iteration_bounds = array<i64: 2, 16>, scalar_prefetch = 0 : i64, scratch_operands = 9 : i64, tpu.core_type = #tpu.core_type<sc_vector_subcore>, window_params = [{transform_indices = #map}, {transform_indices = #map}, {transform_indices = #map}, {transform_indices = #map}, {transform_indices = #map1}]} {
    %mul3A = arith.constant 16 : i32
    %mul3A_0 = arith.muli %arg0, %mul3A : i32
    %add3A = arith.addi %mul3A_0, %arg1 : i32
    "tpu.region"() ({
      %run_scoped3A = tpu.sem_alloc : memref<!tpu.dma_semaphore, #tpu.memory_space<semaphore_mem>>
      %dma_start3A_46 = arith.constant 0 : i32
      %dma_start3A_47 = tpu.memref_slice %arg3[%add3A, %dma_start3A_46] : memref<32x10000xi32, #tpu.memory_space<hbm>> -> memref<1x10000xi32, #tpu.memory_space<hbm>>
      %dma_start3A_48 = tpu.memref_squeeze %dma_start3A_47 : memref<1x10000xi32, #tpu.memory_space<hbm>> -> memref<10000xi32, #tpu.memory_space<hbm>>
      %dma_start3A_49 = arith.constant 0 : i32
      %dma_start3A_50 = tpu.memref_slice %arg3[%add3A, %dma_start3A_49] : memref<32x10000xi32, #tpu.memory_space<hbm>> -> memref<1x10000xi32, #tpu.memory_space<hbm>>
      %dma_start3A_51 = tpu.memref_squeeze %dma_start3A_50 : memref<1x10000xi32, #tpu.memory_space<hbm>> -> memref<10000xi32, #tpu.memory_space<hbm>>
      tpu.enqueue_dma source(%dma_start3A_51 : memref<10000xi32, #tpu.memory_space<hbm>>) target(%arg7 : memref<10000xi32, #tpu.memory_space<vmem>>) target_semaphore(%run_scoped3A : memref<!tpu.dma_semaphore, #tpu.memory_space<semaphore_mem>>)
      %dma_wait3A_52 = arith.constant 0 : i32
      %dma_wait3A_53 = tpu.memref_slice %arg3[%add3A, %dma_wait3A_52] : memref<32x10000xi32, #tpu.memory_space<hbm>> -> memref<1x10000xi32, #tpu.memory_space<hbm>>
      %dma_wait3A_54 = tpu.memref_squeeze %dma_wait3A_53 : memref<1x10000xi32, #tpu.memory_space<hbm>> -> memref<10000xi32, #tpu.memory_space<hbm>>
      %dma_wait3A_55 = arith.constant 0 : i32
      %dma_wait3A_56 = tpu.memref_slice %arg3[%add3A, %dma_wait3A_55] : memref<32x10000xi32, #tpu.memory_space<hbm>> -> memref<1x10000xi32, #tpu.memory_space<hbm>>
      %dma_wait3A_57 = tpu.memref_squeeze %dma_wait3A_56 : memref<1x10000xi32, #tpu.memory_space<hbm>> -> memref<10000xi32, #tpu.memory_space<hbm>>
      tpu.wait_dma2 semaphore(%run_scoped3A : memref<!tpu.dma_semaphore, #tpu.memory_space<semaphore_mem>>) src(%dma_wait3A_57 : memref<10000xi32, #tpu.memory_space<hbm>>) dst(%arg7 : memref<10000xi32, #tpu.memory_space<vmem>>)
      tpu.yield
    }) : () -> ()
    "tpu.region"() ({
      %run_scoped3A = tpu.sem_alloc : memref<!tpu.dma_semaphore, #tpu.memory_space<semaphore_mem>>
      %dma_start3A_46 = arith.constant 0 : i32
      %dma_start3A_47 = tpu.memref_slice %arg4[%add3A, %dma_start3A_46] : memref<32x10000xi32, #tpu.memory_space<hbm>> -> memref<1x10000xi32, #tpu.memory_space<hbm>>
      %dma_start3A_48 = tpu.memref_squeeze %dma_start3A_47 : memref<1x10000xi32, #tpu.memory_space<hbm>> -> memref<10000xi32, #tpu.memory_space<hbm>>
      %dma_start3A_49 = arith.constant 0 : i32
      %dma_start3A_50 = tpu.memref_slice %arg4[%add3A, %dma_start3A_49] : memref<32x10000xi32, #tpu.memory_space<hbm>> -> memref<1x10000xi32, #tpu.memory_space<hbm>>
      %dma_start3A_51 = tpu.memref_squeeze %dma_start3A_50 : memref<1x10000xi32, #tpu.memory_space<hbm>> -> memref<10000xi32, #tpu.memory_space<hbm>>
      tpu.enqueue_dma source(%dma_start3A_51 : memref<10000xi32, #tpu.memory_space<hbm>>) target(%arg8 : memref<10000xi32, #tpu.memory_space<vmem>>) target_semaphore(%run_scoped3A : memref<!tpu.dma_semaphore, #tpu.memory_space<semaphore_mem>>)
      %dma_wait3A_52 = arith.constant 0 : i32
      %dma_wait3A_53 = tpu.memref_slice %arg4[%add3A, %dma_wait3A_52] : memref<32x10000xi32, #tpu.memory_space<hbm>> -> memref<1x10000xi32, #tpu.memory_space<hbm>>
      %dma_wait3A_54 = tpu.memref_squeeze %dma_wait3A_53 : memref<1x10000xi32, #tpu.memory_space<hbm>> -> memref<10000xi32, #tpu.memory_space<hbm>>
      %dma_wait3A_55 = arith.constant 0 : i32
      %dma_wait3A_56 = tpu.memref_slice %arg4[%add3A, %dma_wait3A_55] : memref<32x10000xi32, #tpu.memory_space<hbm>> -> memref<1x10000xi32, #tpu.memory_space<hbm>>
      %dma_wait3A_57 = tpu.memref_squeeze %dma_wait3A_56 : memref<1x10000xi32, #tpu.memory_space<hbm>> -> memref<10000xi32, #tpu.memory_space<hbm>>
      tpu.wait_dma2 semaphore(%run_scoped3A : memref<!tpu.dma_semaphore, #tpu.memory_space<semaphore_mem>>) src(%dma_wait3A_57 : memref<10000xi32, #tpu.memory_space<hbm>>) dst(%arg8 : memref<10000xi32, #tpu.memory_space<vmem>>)
      tpu.yield
    }) : () -> ()
    %lt3A = arith.constant 15 : i32
    %lt3A_1 = arith.cmpi slt, %arg1, %lt3A : i32
    %convert_element_type3A = arith.extui %lt3A_1 : i1 to i32
    %cond3A = arith.constant 0 : i32
    %cond3A_2 = arith.cmpi ne, %convert_element_type3A, %cond3A : i32
    scf.if %cond3A_2 {
      %mul3A_46 = arith.constant 624 : i32
      %mul3A_47 = arith.muli %arg1, %mul3A_46 : i32
      %mul3A_48 = arith.constant 624 : i32
      %mul3A_49 = arith.muli %arg1, %mul3A_48 : i32
      "tpu.region"() ({
        %run_scoped3A = tpu.sem_alloc : memref<!tpu.dma_semaphore, #tpu.memory_space<semaphore_mem>>
        %dma_start3A_50 = arith.constant 0 : i32
        %dma_start3A_51 = tpu.memref_slice %arg12[%mul3A_49, %dma_start3A_50] : memref<10000x128xf32, #tpu.memory_space<vmem_shared>> -> memref<624x128xf32, #tpu.memory_space<vmem_shared>>
        %dma_start3A_52 = arith.constant 0 : i32
        %dma_start3A_53 = tpu.memref_slice %arg5[%mul3A_47, %dma_start3A_52] : memref<10000x128xf32, #tpu.memory_space<hbm>> -> memref<624x128xf32, #tpu.memory_space<hbm>>
        tpu.enqueue_dma source(%dma_start3A_53 : memref<624x128xf32, #tpu.memory_space<hbm>>) target(%dma_start3A_51 : memref<624x128xf32, #tpu.memory_space<vmem_shared>>) target_semaphore(%run_scoped3A : memref<!tpu.dma_semaphore, #tpu.memory_space<semaphore_mem>>)
        %dma_wait3A_54 = arith.constant 0 : i32
        %dma_wait3A_55 = tpu.memref_slice %arg12[%mul3A_49, %dma_wait3A_54] : memref<10000x128xf32, #tpu.memory_space<vmem_shared>> -> memref<624x128xf32, #tpu.memory_space<vmem_shared>>
        %dma_wait3A_56 = arith.constant 0 : i32
        %dma_wait3A_57 = tpu.memref_slice %arg5[%mul3A_47, %dma_wait3A_56] : memref<10000x128xf32, #tpu.memory_space<hbm>> -> memref<624x128xf32, #tpu.memory_space<hbm>>
        tpu.wait_dma2 semaphore(%run_scoped3A : memref<!tpu.dma_semaphore, #tpu.memory_space<semaphore_mem>>) src(%dma_wait3A_57 : memref<624x128xf32, #tpu.memory_space<hbm>>) dst(%dma_wait3A_55 : memref<624x128xf32, #tpu.memory_space<vmem_shared>>)
        tpu.yield
      }) : () -> ()
    } else {
    }
    %eq3A = arith.constant 15 : i32
    %eq3A_3 = arith.cmpi eq, %arg1, %eq3A : i32
    %convert_element_type3A_4 = arith.extui %eq3A_3 : i1 to i32
    %cond3A_5 = arith.constant 0 : i32
    %cond3A_6 = arith.cmpi ne, %convert_element_type3A_4, %cond3A_5 : i32
    scf.if %cond3A_6 {
      "tpu.region"() ({
        %run_scoped3A = tpu.sem_alloc : memref<!tpu.dma_semaphore, #tpu.memory_space<semaphore_mem>>
        %dma_start3A_46 = arith.constant 9360 : i32
        %dma_start3A_47 = arith.constant 0 : i32
        %dma_start3A_48 = tpu.memref_slice %arg12[%dma_start3A_46, %dma_start3A_47] : memref<10000x128xf32, #tpu.memory_space<vmem_shared>> -> memref<640x128xf32, #tpu.memory_space<vmem_shared>>
        %dma_start3A_49 = arith.constant 9360 : i32
        %dma_start3A_50 = arith.constant 0 : i32
        %dma_start3A_51 = tpu.memref_slice %arg5[%dma_start3A_49, %dma_start3A_50] : memref<10000x128xf32, #tpu.memory_space<hbm>> -> memref<640x128xf32, #tpu.memory_space<hbm>>
        tpu.enqueue_dma source(%dma_start3A_51 : memref<640x128xf32, #tpu.memory_space<hbm>>) target(%dma_start3A_48 : memref<640x128xf32, #tpu.memory_space<vmem_shared>>) target_semaphore(%run_scoped3A : memref<!tpu.dma_semaphore, #tpu.memory_space<semaphore_mem>>)
        %dma_wait3A_52 = arith.constant 9360 : i32
        %dma_wait3A_53 = arith.constant 0 : i32
        %dma_wait3A_54 = tpu.memref_slice %arg12[%dma_wait3A_52, %dma_wait3A_53] : memref<10000x128xf32, #tpu.memory_space<vmem_shared>> -> memref<640x128xf32, #tpu.memory_space<vmem_shared>>
        %dma_wait3A_55 = arith.constant 9360 : i32
        %dma_wait3A_56 = arith.constant 0 : i32
        %dma_wait3A_57 = tpu.memref_slice %arg5[%dma_wait3A_55, %dma_wait3A_56] : memref<10000x128xf32, #tpu.memory_space<hbm>> -> memref<640x128xf32, #tpu.memory_space<hbm>>
        tpu.wait_dma2 semaphore(%run_scoped3A : memref<!tpu.dma_semaphore, #tpu.memory_space<semaphore_mem>>) src(%dma_wait3A_57 : memref<640x128xf32, #tpu.memory_space<hbm>>) dst(%dma_wait3A_54 : memref<640x128xf32, #tpu.memory_space<vmem_shared>>)
        tpu.yield
      }) : () -> ()
    } else {
    }
    %barrier3A = arith.constant 0 : index
    tpu.barrier barrier_id(%barrier3A)
    %dma_start3A = arith.constant 0 : i32
    %dma_start3A_7 = tpu.memref_slice %arg7[%dma_start3A] : memref<10000xi32, #tpu.memory_space<vmem>> -> memref<80xi32, #tpu.memory_space<vmem>>
    %dma_start3A_8 = arith.constant 0 : i32
    %dma_start3A_9 = arith.constant 0 : i32
    %dma_start3A_10 = tpu.memref_slice %arg2[%dma_start3A_8, %dma_start3A_9] : memref<10000x128xf32, #tpu.memory_space<hbm>> -> memref<10000x128xf32, #tpu.memory_space<hbm>>
    tpu.enqueue_indirect_dma source(%dma_start3A_10 : memref<10000x128xf32, #tpu.memory_space<hbm>>) target(%arg9 : memref<80x128xf32, #tpu.memory_space<vmem>>) offsets(%dma_start3A_7 : memref<80xi32, #tpu.memory_space<vmem>>) semaphore(%arg13 : memref<!tpu.dma_semaphore, #tpu.memory_space<semaphore_mem>>)
    %dma_start3A_11 = arith.constant 80 : i32
    %dma_start3A_12 = tpu.memref_slice %arg7[%dma_start3A_11] : memref<10000xi32, #tpu.memory_space<vmem>> -> memref<80xi32, #tpu.memory_space<vmem>>
    %dma_start3A_13 = arith.constant 0 : i32
    %dma_start3A_14 = arith.constant 0 : i32
    %dma_start3A_15 = tpu.memref_slice %arg2[%dma_start3A_13, %dma_start3A_14] : memref<10000x128xf32, #tpu.memory_space<hbm>> -> memref<10000x128xf32, #tpu.memory_space<hbm>>
    tpu.enqueue_indirect_dma source(%dma_start3A_15 : memref<10000x128xf32, #tpu.memory_space<hbm>>) target(%arg10 : memref<80x128xf32, #tpu.memory_space<vmem>>) offsets(%dma_start3A_12 : memref<80xi32, #tpu.memory_space<vmem>>) semaphore(%arg14 : memref<!tpu.dma_semaphore, #tpu.memory_space<semaphore_mem>>)
    %dma_start3A_16 = arith.constant 160 : i32
    %dma_start3A_17 = tpu.memref_slice %arg7[%dma_start3A_16] : memref<10000xi32, #tpu.memory_space<vmem>> -> memref<80xi32, #tpu.memory_space<vmem>>
    %dma_start3A_18 = arith.constant 0 : i32
    %dma_start3A_19 = arith.constant 0 : i32
    %dma_start3A_20 = tpu.memref_slice %arg2[%dma_start3A_18, %dma_start3A_19] : memref<10000x128xf32, #tpu.memory_space<hbm>> -> memref<10000x128xf32, #tpu.memory_space<hbm>>
    tpu.enqueue_indirect_dma source(%dma_start3A_20 : memref<10000x128xf32, #tpu.memory_space<hbm>>) target(%arg11 : memref<80x128xf32, #tpu.memory_space<vmem>>) offsets(%dma_start3A_17 : memref<80xi32, #tpu.memory_space<vmem>>) semaphore(%arg15 : memref<!tpu.dma_semaphore, #tpu.memory_space<semaphore_mem>>)
    %scan3A = arith.constant 0 : i32
    %scan3A_21 = arith.constant 0 : i32
    %scan3A_22 = arith.constant 41 : i32
    %scan3A_23 = arith.addi %scan3A_21, %scan3A_22 : i32
    %scan3A_24 = arith.constant 1 : i32
    scf.for %scan3A_46 = %scan3A_21 to %scan3A_23 step %scan3A_24  : i32 {
      %mul3A_47 = arith.constant 3 : i32
      %mul3A_48 = arith.muli %scan3A_46, %mul3A_47 : i32
      %add3A_49 = arith.constant 0 : i32
      %add3A_50 = arith.addi %mul3A_48, %add3A_49 : i32
      %mul3A_51 = arith.constant 80 : i32
      %mul3A_52 = arith.muli %add3A_50, %mul3A_51 : i32
      %dma_wait3A_53 = tpu.memref_slice %arg7[%mul3A_52] : memref<10000xi32, #tpu.memory_space<vmem>> -> memref<80xi32, #tpu.memory_space<vmem>>
      %dma_wait3A_54 = arith.constant 0 : i32
      %dma_wait3A_55 = arith.constant 0 : i32
      %dma_wait3A_56 = tpu.memref_slice %arg2[%dma_wait3A_54, %dma_wait3A_55] : memref<10000x128xf32, #tpu.memory_space<hbm>> -> memref<10000x128xf32, #tpu.memory_space<hbm>>
      tpu.wait_indirect_dma semaphore(%arg13 : memref<!tpu.dma_semaphore, #tpu.memory_space<semaphore_mem>>) src(%dma_wait3A_56 : memref<10000x128xf32, #tpu.memory_space<hbm>>) dst(%arg9 : memref<80x128xf32, #tpu.memory_space<vmem>>)
      %mul3A_57 = arith.constant 80 : i32
      %mul3A_58 = arith.muli %add3A_50, %mul3A_57 : i32
      "tpu.region"() ({
        %run_scoped3A = tpu.sem_alloc : memref<!tpu.dma_semaphore, #tpu.memory_space<semaphore_mem>>
        %dma_start3A_94 = tpu.memref_slice %arg8[%mul3A_58] : memref<10000xi32, #tpu.memory_space<vmem>> -> memref<80xi32, #tpu.memory_space<vmem>>
        %dma_start3A_95 = arith.constant 0 : i32
        %dma_start3A_96 = arith.constant 0 : i32
        %dma_start3A_97 = tpu.memref_slice %arg12[%dma_start3A_95, %dma_start3A_96] : memref<10000x128xf32, #tpu.memory_space<vmem_shared>> -> memref<10000x128xf32, #tpu.memory_space<vmem_shared>>
        tpu.enqueue_indirect_dma source(%arg9 : memref<80x128xf32, #tpu.memory_space<vmem>>) target(%dma_start3A_97 : memref<10000x128xf32, #tpu.memory_space<vmem_shared>>) offsets(%dma_start3A_94 : memref<80xi32, #tpu.memory_space<vmem>>) semaphore(%run_scoped3A : memref<!tpu.dma_semaphore, #tpu.memory_space<semaphore_mem>>) {add = true}
        %dma_wait3A_98 = tpu.memref_slice %arg8[%mul3A_58] : memref<10000xi32, #tpu.memory_space<vmem>> -> memref<80xi32, #tpu.memory_space<vmem>>
        %dma_wait3A_99 = arith.constant 0 : i32
        %dma_wait3A_100 = arith.constant 0 : i32
        %dma_wait3A_101 = tpu.memref_slice %arg12[%dma_wait3A_99, %dma_wait3A_100] : memref<10000x128xf32, #tpu.memory_space<vmem_shared>> -> memref<10000x128xf32, #tpu.memory_space<vmem_shared>>
        tpu.wait_indirect_dma semaphore(%run_scoped3A : memref<!tpu.dma_semaphore, #tpu.memory_space<semaphore_mem>>) src(%arg9 : memref<80x128xf32, #tpu.memory_space<vmem>>) dst(%dma_wait3A_101 : memref<10000x128xf32, #tpu.memory_space<vmem_shared>>)
        tpu.yield
      }) : () -> ()
      %lt3A_59 = arith.constant 122 : i32
      %lt3A_60 = arith.cmpi slt, %add3A_50, %lt3A_59 : i32
      %convert_element_type3A_61 = arith.extui %lt3A_60 : i1 to i32
      %cond3A_62 = arith.constant 0 : i32
      %cond3A_63 = arith.cmpi ne, %convert_element_type3A_61, %cond3A_62 : i32
      scf.if %cond3A_63 {
        %add3A_94 = arith.constant 3 : i32
        %add3A_95 = arith.addi %add3A_50, %add3A_94 : i32
        %mul3A_96 = arith.constant 80 : i32
        %mul3A_97 = arith.muli %add3A_95, %mul3A_96 : i32
        %dma_start3A_98 = tpu.memref_slice %arg7[%mul3A_97] : memref<10000xi32, #tpu.memory_space<vmem>> -> memref<80xi32, #tpu.memory_space<vmem>>
        %dma_start3A_99 = arith.constant 0 : i32
        %dma_start3A_100 = arith.constant 0 : i32
        %dma_start3A_101 = tpu.memref_slice %arg2[%dma_start3A_99, %dma_start3A_100] : memref<10000x128xf32, #tpu.memory_space<hbm>> -> memref<10000x128xf32, #tpu.memory_space<hbm>>
        tpu.enqueue_indirect_dma source(%dma_start3A_101 : memref<10000x128xf32, #tpu.memory_space<hbm>>) target(%arg9 : memref<80x128xf32, #tpu.memory_space<vmem>>) offsets(%dma_start3A_98 : memref<80xi32, #tpu.memory_space<vmem>>) semaphore(%arg13 : memref<!tpu.dma_semaphore, #tpu.memory_space<semaphore_mem>>)
      } else {
      }
      %add3A_64 = arith.constant 1 : i32
      %add3A_65 = arith.addi %mul3A_48, %add3A_64 : i32
      %mul3A_66 = arith.constant 80 : i32
      %mul3A_67 = arith.muli %add3A_65, %mul3A_66 : i32
      %dma_wait3A_68 = tpu.memref_slice %arg7[%mul3A_67] : memref<10000xi32, #tpu.memory_space<vmem>> -> memref<80xi32, #tpu.memory_space<vmem>>
      %dma_wait3A_69 = arith.constant 0 : i32
      %dma_wait3A_70 = arith.constant 0 : i32
      %dma_wait3A_71 = tpu.memref_slice %arg2[%dma_wait3A_69, %dma_wait3A_70] : memref<10000x128xf32, #tpu.memory_space<hbm>> -> memref<10000x128xf32, #tpu.memory_space<hbm>>
      tpu.wait_indirect_dma semaphore(%arg14 : memref<!tpu.dma_semaphore, #tpu.memory_space<semaphore_mem>>) src(%dma_wait3A_71 : memref<10000x128xf32, #tpu.memory_space<hbm>>) dst(%arg10 : memref<80x128xf32, #tpu.memory_space<vmem>>)
      %mul3A_72 = arith.constant 80 : i32
      %mul3A_73 = arith.muli %add3A_65, %mul3A_72 : i32
      "tpu.region"() ({
        %run_scoped3A = tpu.sem_alloc : memref<!tpu.dma_semaphore, #tpu.memory_space<semaphore_mem>>
        %dma_start3A_94 = tpu.memref_slice %arg8[%mul3A_73] : memref<10000xi32, #tpu.memory_space<vmem>> -> memref<80xi32, #tpu.memory_space<vmem>>
        %dma_start3A_95 = arith.constant 0 : i32
        %dma_start3A_96 = arith.constant 0 : i32
        %dma_start3A_97 = tpu.memref_slice %arg12[%dma_start3A_95, %dma_start3A_96] : memref<10000x128xf32, #tpu.memory_space<vmem_shared>> -> memref<10000x128xf32, #tpu.memory_space<vmem_shared>>
        tpu.enqueue_indirect_dma source(%arg10 : memref<80x128xf32, #tpu.memory_space<vmem>>) target(%dma_start3A_97 : memref<10000x128xf32, #tpu.memory_space<vmem_shared>>) offsets(%dma_start3A_94 : memref<80xi32, #tpu.memory_space<vmem>>) semaphore(%run_scoped3A : memref<!tpu.dma_semaphore, #tpu.memory_space<semaphore_mem>>) {add = true}
        %dma_wait3A_98 = tpu.memref_slice %arg8[%mul3A_73] : memref<10000xi32, #tpu.memory_space<vmem>> -> memref<80xi32, #tpu.memory_space<vmem>>
        %dma_wait3A_99 = arith.constant 0 : i32
        %dma_wait3A_100 = arith.constant 0 : i32
        %dma_wait3A_101 = tpu.memref_slice %arg12[%dma_wait3A_99, %dma_wait3A_100] : memref<10000x128xf32, #tpu.memory_space<vmem_shared>> -> memref<10000x128xf32, #tpu.memory_space<vmem_shared>>
        tpu.wait_indirect_dma semaphore(%run_scoped3A : memref<!tpu.dma_semaphore, #tpu.memory_space<semaphore_mem>>) src(%arg10 : memref<80x128xf32, #tpu.memory_space<vmem>>) dst(%dma_wait3A_101 : memref<10000x128xf32, #tpu.memory_space<vmem_shared>>)
        tpu.yield
      }) : () -> ()
      %lt3A_74 = arith.constant 122 : i32
      %lt3A_75 = arith.cmpi slt, %add3A_65, %lt3A_74 : i32
      %convert_element_type3A_76 = arith.extui %lt3A_75 : i1 to i32
      %cond3A_77 = arith.constant 0 : i32
      %cond3A_78 = arith.cmpi ne, %convert_element_type3A_76, %cond3A_77 : i32
      scf.if %cond3A_78 {
        %add3A_94 = arith.constant 3 : i32
        %add3A_95 = arith.addi %add3A_65, %add3A_94 : i32
        %mul3A_96 = arith.constant 80 : i32
        %mul3A_97 = arith.muli %add3A_95, %mul3A_96 : i32
        %dma_start3A_98 = tpu.memref_slice %arg7[%mul3A_97] : memref<10000xi32, #tpu.memory_space<vmem>> -> memref<80xi32, #tpu.memory_space<vmem>>
        %dma_start3A_99 = arith.constant 0 : i32
        %dma_start3A_100 = arith.constant 0 : i32
        %dma_start3A_101 = tpu.memref_slice %arg2[%dma_start3A_99, %dma_start3A_100] : memref<10000x128xf32, #tpu.memory_space<hbm>> -> memref<10000x128xf32, #tpu.memory_space<hbm>>
        tpu.enqueue_indirect_dma source(%dma_start3A_101 : memref<10000x128xf32, #tpu.memory_space<hbm>>) target(%arg10 : memref<80x128xf32, #tpu.memory_space<vmem>>) offsets(%dma_start3A_98 : memref<80xi32, #tpu.memory_space<vmem>>) semaphore(%arg14 : memref<!tpu.dma_semaphore, #tpu.memory_space<semaphore_mem>>)
      } else {
      }
      %add3A_79 = arith.constant 2 : i32
      %add3A_80 = arith.addi %mul3A_48, %add3A_79 : i32
      %mul3A_81 = arith.constant 80 : i32
      %mul3A_82 = arith.muli %add3A_80, %mul3A_81 : i32
      %dma_wait3A_83 = tpu.memref_slice %arg7[%mul3A_82] : memref<10000xi32, #tpu.memory_space<vmem>> -> memref<80xi32, #tpu.memory_space<vmem>>
      %dma_wait3A_84 = arith.constant 0 : i32
      %dma_wait3A_85 = arith.constant 0 : i32
      %dma_wait3A_86 = tpu.memref_slice %arg2[%dma_wait3A_84, %dma_wait3A_85] : memref<10000x128xf32, #tpu.memory_space<hbm>> -> memref<10000x128xf32, #tpu.memory_space<hbm>>
      tpu.wait_indirect_dma semaphore(%arg15 : memref<!tpu.dma_semaphore, #tpu.memory_space<semaphore_mem>>) src(%dma_wait3A_86 : memref<10000x128xf32, #tpu.memory_space<hbm>>) dst(%arg11 : memref<80x128xf32, #tpu.memory_space<vmem>>)
      %mul3A_87 = arith.constant 80 : i32
      %mul3A_88 = arith.muli %add3A_80, %mul3A_87 : i32
      "tpu.region"() ({
        %run_scoped3A = tpu.sem_alloc : memref<!tpu.dma_semaphore, #tpu.memory_space<semaphore_mem>>
        %dma_start3A_94 = tpu.memref_slice %arg8[%mul3A_88] : memref<10000xi32, #tpu.memory_space<vmem>> -> memref<80xi32, #tpu.memory_space<vmem>>
        %dma_start3A_95 = arith.constant 0 : i32
        %dma_start3A_96 = arith.constant 0 : i32
        %dma_start3A_97 = tpu.memref_slice %arg12[%dma_start3A_95, %dma_start3A_96] : memref<10000x128xf32, #tpu.memory_space<vmem_shared>> -> memref<10000x128xf32, #tpu.memory_space<vmem_shared>>
        tpu.enqueue_indirect_dma source(%arg11 : memref<80x128xf32, #tpu.memory_space<vmem>>) target(%dma_start3A_97 : memref<10000x128xf32, #tpu.memory_space<vmem_shared>>) offsets(%dma_start3A_94 : memref<80xi32, #tpu.memory_space<vmem>>) semaphore(%run_scoped3A : memref<!tpu.dma_semaphore, #tpu.memory_space<semaphore_mem>>) {add = true}
        %dma_wait3A_98 = tpu.memref_slice %arg8[%mul3A_88] : memref<10000xi32, #tpu.memory_space<vmem>> -> memref<80xi32, #tpu.memory_space<vmem>>
        %dma_wait3A_99 = arith.constant 0 : i32
        %dma_wait3A_100 = arith.constant 0 : i32
        %dma_wait3A_101 = tpu.memref_slice %arg12[%dma_wait3A_99, %dma_wait3A_100] : memref<10000x128xf32, #tpu.memory_space<vmem_shared>> -> memref<10000x128xf32, #tpu.memory_space<vmem_shared>>
        tpu.wait_indirect_dma semaphore(%run_scoped3A : memref<!tpu.dma_semaphore, #tpu.memory_space<semaphore_mem>>) src(%arg11 : memref<80x128xf32, #tpu.memory_space<vmem>>) dst(%dma_wait3A_101 : memref<10000x128xf32, #tpu.memory_space<vmem_shared>>)
        tpu.yield
      }) : () -> ()
      %lt3A_89 = arith.constant 122 : i32
      %lt3A_90 = arith.cmpi slt, %add3A_80, %lt3A_89 : i32
      %convert_element_type3A_91 = arith.extui %lt3A_90 : i1 to i32
      %cond3A_92 = arith.constant 0 : i32
      %cond3A_93 = arith.cmpi ne, %convert_element_type3A_91, %cond3A_92 : i32
      scf.if %cond3A_93 {
        %add3A_94 = arith.constant 3 : i32
        %add3A_95 = arith.addi %add3A_80, %add3A_94 : i32
        %mul3A_96 = arith.constant 80 : i32
        %mul3A_97 = arith.muli %add3A_95, %mul3A_96 : i32
        %dma_start3A_98 = tpu.memref_slice %arg7[%mul3A_97] : memref<10000xi32, #tpu.memory_space<vmem>> -> memref<80xi32, #tpu.memory_space<vmem>>
        %dma_start3A_99 = arith.constant 0 : i32
        %dma_start3A_100 = arith.constant 0 : i32
        %dma_start3A_101 = tpu.memref_slice %arg2[%dma_start3A_99, %dma_start3A_100] : memref<10000x128xf32, #tpu.memory_space<hbm>> -> memref<10000x128xf32, #tpu.memory_space<hbm>>
        tpu.enqueue_indirect_dma source(%dma_start3A_101 : memref<10000x128xf32, #tpu.memory_space<hbm>>) target(%arg11 : memref<80x128xf32, #tpu.memory_space<vmem>>) offsets(%dma_start3A_98 : memref<80xi32, #tpu.memory_space<vmem>>) semaphore(%arg15 : memref<!tpu.dma_semaphore, #tpu.memory_space<semaphore_mem>>)
      } else {
      }
    }
    %scan3A_25 = arith.constant 41 : i32
    %dma_wait3A = arith.constant 9840 : i32
    %dma_wait3A_26 = tpu.memref_slice %arg7[%dma_wait3A] : memref<10000xi32, #tpu.memory_space<vmem>> -> memref<80xi32, #tpu.memory_space<vmem>>
    %dma_wait3A_27 = arith.constant 0 : i32
    %dma_wait3A_28 = arith.constant 0 : i32
    %dma_wait3A_29 = tpu.memref_slice %arg2[%dma_wait3A_27, %dma_wait3A_28] : memref<10000x128xf32, #tpu.memory_space<hbm>> -> memref<10000x128xf32, #tpu.memory_space<hbm>>
    tpu.wait_indirect_dma semaphore(%arg13 : memref<!tpu.dma_semaphore, #tpu.memory_space<semaphore_mem>>) src(%dma_wait3A_29 : memref<10000x128xf32, #tpu.memory_space<hbm>>) dst(%arg9 : memref<80x128xf32, #tpu.memory_space<vmem>>)
    "tpu.region"() ({
      %run_scoped3A = tpu.sem_alloc : memref<!tpu.dma_semaphore, #tpu.memory_space<semaphore_mem>>
      %dma_start3A_46 = arith.constant 9840 : i32
      %dma_start3A_47 = tpu.memref_slice %arg8[%dma_start3A_46] : memref<10000xi32, #tpu.memory_space<vmem>> -> memref<80xi32, #tpu.memory_space<vmem>>
      %dma_start3A_48 = arith.constant 0 : i32
      %dma_start3A_49 = arith.constant 0 : i32
      %dma_start3A_50 = tpu.memref_slice %arg12[%dma_start3A_48, %dma_start3A_49] : memref<10000x128xf32, #tpu.memory_space<vmem_shared>> -> memref<10000x128xf32, #tpu.memory_space<vmem_shared>>
      tpu.enqueue_indirect_dma source(%arg9 : memref<80x128xf32, #tpu.memory_space<vmem>>) target(%dma_start3A_50 : memref<10000x128xf32, #tpu.memory_space<vmem_shared>>) offsets(%dma_start3A_47 : memref<80xi32, #tpu.memory_space<vmem>>) semaphore(%run_scoped3A : memref<!tpu.dma_semaphore, #tpu.memory_space<semaphore_mem>>) {add = true}
      %dma_wait3A_51 = arith.constant 9840 : i32
      %dma_wait3A_52 = tpu.memref_slice %arg8[%dma_wait3A_51] : memref<10000xi32, #tpu.memory_space<vmem>> -> memref<80xi32, #tpu.memory_space<vmem>>
      %dma_wait3A_53 = arith.constant 0 : i32
      %dma_wait3A_54 = arith.constant 0 : i32
      %dma_wait3A_55 = tpu.memref_slice %arg12[%dma_wait3A_53, %dma_wait3A_54] : memref<10000x128xf32, #tpu.memory_space<vmem_shared>> -> memref<10000x128xf32, #tpu.memory_space<vmem_shared>>
      tpu.wait_indirect_dma semaphore(%run_scoped3A : memref<!tpu.dma_semaphore, #tpu.memory_space<semaphore_mem>>) src(%arg9 : memref<80x128xf32, #tpu.memory_space<vmem>>) dst(%dma_wait3A_55 : memref<10000x128xf32, #tpu.memory_space<vmem_shared>>)
      tpu.yield
    }) : () -> ()
    %dma_wait3A_30 = arith.constant 9920 : i32
    %dma_wait3A_31 = tpu.memref_slice %arg7[%dma_wait3A_30] : memref<10000xi32, #tpu.memory_space<vmem>> -> memref<80xi32, #tpu.memory_space<vmem>>
    %dma_wait3A_32 = arith.constant 0 : i32
    %dma_wait3A_33 = arith.constant 0 : i32
    %dma_wait3A_34 = tpu.memref_slice %arg2[%dma_wait3A_32, %dma_wait3A_33] : memref<10000x128xf32, #tpu.memory_space<hbm>> -> memref<10000x128xf32, #tpu.memory_space<hbm>>
    tpu.wait_indirect_dma semaphore(%arg14 : memref<!tpu.dma_semaphore, #tpu.memory_space<semaphore_mem>>) src(%dma_wait3A_34 : memref<10000x128xf32, #tpu.memory_space<hbm>>) dst(%arg10 : memref<80x128xf32, #tpu.memory_space<vmem>>)
    "tpu.region"() ({
      %run_scoped3A = tpu.sem_alloc : memref<!tpu.dma_semaphore, #tpu.memory_space<semaphore_mem>>
      %dma_start3A_46 = arith.constant 9920 : i32
      %dma_start3A_47 = tpu.memref_slice %arg8[%dma_start3A_46] : memref<10000xi32, #tpu.memory_space<vmem>> -> memref<80xi32, #tpu.memory_space<vmem>>
      %dma_start3A_48 = arith.constant 0 : i32
      %dma_start3A_49 = arith.constant 0 : i32
      %dma_start3A_50 = tpu.memref_slice %arg12[%dma_start3A_48, %dma_start3A_49] : memref<10000x128xf32, #tpu.memory_space<vmem_shared>> -> memref<10000x128xf32, #tpu.memory_space<vmem_shared>>
      tpu.enqueue_indirect_dma source(%arg10 : memref<80x128xf32, #tpu.memory_space<vmem>>) target(%dma_start3A_50 : memref<10000x128xf32, #tpu.memory_space<vmem_shared>>) offsets(%dma_start3A_47 : memref<80xi32, #tpu.memory_space<vmem>>) semaphore(%run_scoped3A : memref<!tpu.dma_semaphore, #tpu.memory_space<semaphore_mem>>) {add = true}
      %dma_wait3A_51 = arith.constant 9920 : i32
      %dma_wait3A_52 = tpu.memref_slice %arg8[%dma_wait3A_51] : memref<10000xi32, #tpu.memory_space<vmem>> -> memref<80xi32, #tpu.memory_space<vmem>>
      %dma_wait3A_53 = arith.constant 0 : i32
      %dma_wait3A_54 = arith.constant 0 : i32
      %dma_wait3A_55 = tpu.memref_slice %arg12[%dma_wait3A_53, %dma_wait3A_54] : memref<10000x128xf32, #tpu.memory_space<vmem_shared>> -> memref<10000x128xf32, #tpu.memory_space<vmem_shared>>
      tpu.wait_indirect_dma semaphore(%run_scoped3A : memref<!tpu.dma_semaphore, #tpu.memory_space<semaphore_mem>>) src(%arg10 : memref<80x128xf32, #tpu.memory_space<vmem>>) dst(%dma_wait3A_55 : memref<10000x128xf32, #tpu.memory_space<vmem_shared>>)
      tpu.yield
    }) : () -> ()
    %barrier3A_35 = arith.constant 0 : index
    tpu.barrier barrier_id(%barrier3A_35)
    %lt3A_36 = arith.constant 15 : i32
    %lt3A_37 = arith.cmpi slt, %arg1, %lt3A_36 : i32
    %convert_element_type3A_38 = arith.extui %lt3A_37 : i1 to i32
    %cond3A_39 = arith.constant 0 : i32
    %cond3A_40 = arith.cmpi ne, %convert_element_type3A_38, %cond3A_39 : i32
    scf.if %cond3A_40 {
      %mul3A_46 = arith.constant 624 : i32
      %mul3A_47 = arith.muli %arg1, %mul3A_46 : i32
      %mul3A_48 = arith.constant 624 : i32
      %mul3A_49 = arith.muli %arg1, %mul3A_48 : i32
      "tpu.region"() ({
        %run_scoped3A = tpu.sem_alloc : memref<!tpu.dma_semaphore, #tpu.memory_space<semaphore_mem>>
        %dma_start3A_50 = arith.constant 0 : i32
        %dma_start3A_51 = arith.constant 0 : i32
        %dma_start3A_52 = tpu.memref_slice %arg6[%arg0, %dma_start3A_50, %dma_start3A_51] : memref<2x10000x128xf32, #tpu.memory_space<hbm>> -> memref<1x10000x128xf32, #tpu.memory_space<hbm>>
        %dma_start3A_53 = tpu.memref_squeeze %dma_start3A_52 : memref<1x10000x128xf32, #tpu.memory_space<hbm>> -> memref<10000x128xf32, #tpu.memory_space<hbm>>
        %dma_start3A_54 = arith.constant 0 : i32
        %dma_start3A_55 = tpu.memref_slice %dma_start3A_53[%mul3A_49, %dma_start3A_54] : memref<10000x128xf32, #tpu.memory_space<hbm>> -> memref<624x128xf32, #tpu.memory_space<hbm>>
        %dma_start3A_56 = arith.constant 0 : i32
        %dma_start3A_57 = tpu.memref_slice %arg12[%mul3A_47, %dma_start3A_56] : memref<10000x128xf32, #tpu.memory_space<vmem_shared>> -> memref<624x128xf32, #tpu.memory_space<vmem_shared>>
        tpu.enqueue_dma source(%dma_start3A_57 : memref<624x128xf32, #tpu.memory_space<vmem_shared>>) target(%dma_start3A_55 : memref<624x128xf32, #tpu.memory_space<hbm>>) target_semaphore(%run_scoped3A : memref<!tpu.dma_semaphore, #tpu.memory_space<semaphore_mem>>)
        %dma_wait3A_58 = arith.constant 0 : i32
        %dma_wait3A_59 = arith.constant 0 : i32
        %dma_wait3A_60 = tpu.memref_slice %arg6[%arg0, %dma_wait3A_58, %dma_wait3A_59] : memref<2x10000x128xf32, #tpu.memory_space<hbm>> -> memref<1x10000x128xf32, #tpu.memory_space<hbm>>
        %dma_wait3A_61 = tpu.memref_squeeze %dma_wait3A_60 : memref<1x10000x128xf32, #tpu.memory_space<hbm>> -> memref<10000x128xf32, #tpu.memory_space<hbm>>
        %dma_wait3A_62 = arith.constant 0 : i32
        %dma_wait3A_63 = tpu.memref_slice %dma_wait3A_61[%mul3A_49, %dma_wait3A_62] : memref<10000x128xf32, #tpu.memory_space<hbm>> -> memref<624x128xf32, #tpu.memory_space<hbm>>
        %dma_wait3A_64 = arith.constant 0 : i32
        %dma_wait3A_65 = tpu.memref_slice %arg12[%mul3A_47, %dma_wait3A_64] : memref<10000x128xf32, #tpu.memory_space<vmem_shared>> -> memref<624x128xf32, #tpu.memory_space<vmem_shared>>
        tpu.wait_dma2 semaphore(%run_scoped3A : memref<!tpu.dma_semaphore, #tpu.memory_space<semaphore_mem>>) src(%dma_wait3A_65 : memref<624x128xf32, #tpu.memory_space<vmem_shared>>) dst(%dma_wait3A_63 : memref<624x128xf32, #tpu.memory_space<hbm>>)
        tpu.yield
      }) : () -> ()
    } else {
    }
    %eq3A_41 = arith.constant 15 : i32
    %eq3A_42 = arith.cmpi eq, %arg1, %eq3A_41 : i32
    %convert_element_type3A_43 = arith.extui %eq3A_42 : i1 to i32
    %cond3A_44 = arith.constant 0 : i32
    %cond3A_45 = arith.cmpi ne, %convert_element_type3A_43, %cond3A_44 : i32
    scf.if %cond3A_45 {
      "tpu.region"() ({
        %run_scoped3A = tpu.sem_alloc : memref<!tpu.dma_semaphore, #tpu.memory_space<semaphore_mem>>
        %dma_start3A_46 = arith.constant 0 : i32
        %dma_start3A_47 = arith.constant 0 : i32
        %dma_start3A_48 = tpu.memref_slice %arg6[%arg0, %dma_start3A_46, %dma_start3A_47] : memref<2x10000x128xf32, #tpu.memory_space<hbm>> -> memref<1x10000x128xf32, #tpu.memory_space<hbm>>
        %dma_start3A_49 = tpu.memref_squeeze %dma_start3A_48 : memref<1x10000x128xf32, #tpu.memory_space<hbm>> -> memref<10000x128xf32, #tpu.memory_space<hbm>>
        %dma_start3A_50 = arith.constant 9360 : i32
        %dma_start3A_51 = arith.constant 0 : i32
        %dma_start3A_52 = tpu.memref_slice %dma_start3A_49[%dma_start3A_50, %dma_start3A_51] : memref<10000x128xf32, #tpu.memory_space<hbm>> -> memref<640x128xf32, #tpu.memory_space<hbm>>
        %dma_start3A_53 = arith.constant 9360 : i32
        %dma_start3A_54 = arith.constant 0 : i32
        %dma_start3A_55 = tpu.memref_slice %arg12[%dma_start3A_53, %dma_start3A_54] : memref<10000x128xf32, #tpu.memory_space<vmem_shared>> -> memref<640x128xf32, #tpu.memory_space<vmem_shared>>
        tpu.enqueue_dma source(%dma_start3A_55 : memref<640x128xf32, #tpu.memory_space<vmem_shared>>) target(%dma_start3A_52 : memref<640x128xf32, #tpu.memory_space<hbm>>) target_semaphore(%run_scoped3A : memref<!tpu.dma_semaphore, #tpu.memory_space<semaphore_mem>>)
        %dma_wait3A_56 = arith.constant 0 : i32
        %dma_wait3A_57 = arith.constant 0 : i32
        %dma_wait3A_58 = tpu.memref_slice %arg6[%arg0, %dma_wait3A_56, %dma_wait3A_57] : memref<2x10000x128xf32, #tpu.memory_space<hbm>> -> memref<1x10000x128xf32, #tpu.memory_space<hbm>>
        %dma_wait3A_59 = tpu.memref_squeeze %dma_wait3A_58 : memref<1x10000x128xf32, #tpu.memory_space<hbm>> -> memref<10000x128xf32, #tpu.memory_space<hbm>>
        %dma_wait3A_60 = arith.constant 9360 : i32
        %dma_wait3A_61 = arith.constant 0 : i32
        %dma_wait3A_62 = tpu.memref_slice %dma_wait3A_59[%dma_wait3A_60, %dma_wait3A_61] : memref<10000x128xf32, #tpu.memory_space<hbm>> -> memref<640x128xf32, #tpu.memory_space<hbm>>
        %dma_wait3A_63 = arith.constant 9360 : i32
        %dma_wait3A_64 = arith.constant 0 : i32
        %dma_wait3A_65 = tpu.memref_slice %arg12[%dma_wait3A_63, %dma_wait3A_64] : memref<10000x128xf32, #tpu.memory_space<vmem_shared>> -> memref<640x128xf32, #tpu.memory_space<vmem_shared>>
        tpu.wait_dma2 semaphore(%run_scoped3A : memref<!tpu.dma_semaphore, #tpu.memory_space<semaphore_mem>>) src(%dma_wait3A_65 : memref<640x128xf32, #tpu.memory_space<vmem_shared>>) dst(%dma_wait3A_62 : memref<640x128xf32, #tpu.memory_space<hbm>>)
        tpu.yield
      }) : () -> ()
    } else {
    }
    return
  }
}

module attributes {stable_mosaic.version = 14 : i64} {
  func.func @_dinv_body(%arg0: memref<2x10000xf32, #tpu.memory_space<vmem>>, %arg1: memref<1x10000xf32, #tpu.memory_space<vmem>>) attributes {dimension_semantics = [], scalar_prefetch = 0 : i64, scratch_operands = 0 : i64, tpu.core_type = #tpu.core_type<tc>} {
    %get3A = arith.constant 0 : index
    %get3A_0 = arith.constant 0 : index
    %get3A_1 = vector.load %arg0[%get3A, %get3A_0] : memref<2x10000xf32, #tpu.memory_space<vmem>>, vector<2x10000xf32>
    %reduce_sum3A = arith.constant dense<0.000000e+00> : vector<10000xf32>
    %reduce_sum3A_2 = vector.multi_reduction <add>, %get3A_1, %reduce_sum3A [0] : vector<2x10000xf32> to vector<10000xf32>
    %broadcast_in_dim3A = vector.shape_cast %reduce_sum3A_2 : vector<10000xf32> to vector<1x10000xf32>
    %add3A = arith.constant 1.000000e+00 : f32
    %add3A_3 = vector.broadcast %add3A : f32 to vector<1x10000xf32>
    %add3A_4 = arith.addf %broadcast_in_dim3A, %add3A_3 : vector<1x10000xf32>
    %rsqrt3A = math.rsqrt %add3A_4 : vector<1x10000xf32>
    %swap3A = arith.constant 0 : index
    %swap3A_5 = arith.constant 0 : index
    %swap3A_6 = vector.load %arg1[%swap3A, %swap3A_5] : memref<1x10000xf32, #tpu.memory_space<vmem>>, vector<1x10000xf32>
    tpu.vector_store %arg1[%swap3A, %swap3A_5], %rsqrt3A {strides = array<i32>} : memref<1x10000xf32, #tpu.memory_space<vmem>>, vector<1x10000xf32>,
    return
  }
}

module attributes {stable_mosaic.version = 14 : i64} {
  func.func @_k1_body(%arg0: i32, %arg1: memref<2000x128xf32, #tpu.memory_space<vmem>>, %arg2: memref<128x128xf32, #tpu.memory_space<vmem>>, %arg3: memref<2000x1xf32, #tpu.memory_space<vmem>>, %arg4: memref<2000x128xf32, #tpu.memory_space<vmem>>) attributes {dimension_semantics = [#tpu.dimension_semantics<arbitrary>], iteration_bounds = array<i64: 5>, scalar_prefetch = 0 : i64, scratch_operands = 0 : i64, tpu.core_type = #tpu.core_type<tc>, window_params = [{transform_indices = @transform_0, window_bounds = array<i64: 2000, 128>}, {pipeline_mode = #tpu.pipeline_mode<synchronous>, transform_indices = @transform_1, window_bounds = array<i64: 128, 128>}, {transform_indices = @transform_2, window_bounds = array<i64: 2000, 1>}, {transform_indices = @transform_3, window_bounds = array<i64: 2000, 128>}]} {
    %get3A = arith.constant 0 : index
    %get3A_0 = arith.constant 0 : index
    %get3A_1 = vector.load %arg3[%get3A, %get3A_0] : memref<2000x1xf32, #tpu.memory_space<vmem>>, vector<2000x1xf32>
    %get3A_2 = arith.constant 0 : index
    %get3A_3 = arith.constant 0 : index
    %get3A_4 = vector.load %arg1[%get3A_2, %get3A_3] : memref<2000x128xf32, #tpu.memory_space<vmem>>, vector<2000x128xf32>
    %get3A_5 = arith.constant 0 : index
    %get3A_6 = arith.constant 0 : index
    %get3A_7 = vector.load %arg2[%get3A_5, %get3A_6] : memref<128x128xf32, #tpu.memory_space<vmem>>, vector<128x128xf32>
    %dot_general3A = arith.constant dense<0.000000e+00> : vector<2000x128xf32>
    %dot_general3A_8 = tpu.matmul %get3A_4, %get3A_7, %dot_general3A {dimension_numbers = #tpu.dot_dimension_numbers<[1], [0], [0], [1], [0, 0, 1, 1], [], []>, transpose_lhs_hint = false} : vector<2000x128xf32>, vector<128x128xf32>, vector<2000x128xf32> -> vector<2000x128xf32>
    %mul3A = vector.broadcast %get3A_1 : vector<2000x1xf32> to vector<2000x128xf32>
    %mul3A_9 = arith.mulf %mul3A, %dot_general3A_8 : vector<2000x128xf32>
    %swap3A = arith.constant 0 : index
    %swap3A_10 = arith.constant 0 : index
    %swap3A_11 = vector.load %arg4[%swap3A, %swap3A_10] : memref<2000x128xf32, #tpu.memory_space<vmem>>, vector<2000x128xf32>
    tpu.vector_store %arg4[%swap3A, %swap3A_10], %mul3A_9 {strides = array<i32>} : memref<2000x128xf32, #tpu.memory_space<vmem>>, vector<2000x128xf32>,
    return
  }
  func.func @transform_0(%arg0: i32) -> (i32, i32) {
    %c0_i32 = arith.constant 0 : i32
    %c0_i32_0 = arith.constant 0 : i32
    return %arg0, %c0_i32 : i32, i32
  }
  func.func @transform_1(%arg0: i32) -> (i32, i32) {
    %c0_i32 = arith.constant 0 : i32
    %c0_i32_0 = arith.constant 0 : i32
    %c0_i32_1 = arith.constant 0 : i32
    return %c0_i32, %c0_i32_0 : i32, i32
  }
  func.func @transform_2(%arg0: i32) -> (i32, i32) {
    %c0_i32 = arith.constant 0 : i32
    %c0_i32_0 = arith.constant 0 : i32
    return %arg0, %c0_i32 : i32, i32
  }
  func.func @transform_3(%arg0: i32) -> (i32, i32) {
    %c0_i32 = arith.constant 0 : i32
    %c0_i32_0 = arith.constant 0 : i32
    return %arg0, %c0_i32 : i32, i32
  }
}

module attributes {stable_mosaic.version = 14 : i64} {
  func.func @_k2_body(%arg0: i32, %arg1: memref<2000x128xf32, #tpu.memory_space<vmem>>, %arg2: memref<2000x128xf32, #tpu.memory_space<vmem>>, %arg3: memref<2000x128xf32, #tpu.memory_space<vmem>>, %arg4: memref<2000x1xf32, #tpu.memory_space<vmem>>, %arg5: memref<1x128xf32, #tpu.memory_space<vmem>>, %arg6: memref<128x128xf32, #tpu.memory_space<vmem>>, %arg7: memref<2000x128xf32, #tpu.memory_space<vmem>>) attributes {dimension_semantics = [#tpu.dimension_semantics<arbitrary>], iteration_bounds = array<i64: 5>, scalar_prefetch = 0 : i64, scratch_operands = 0 : i64, tpu.core_type = #tpu.core_type<tc>, window_params = [{transform_indices = @transform_0, window_bounds = array<i64: 2000, 128>}, {transform_indices = @transform_1, window_bounds = array<i64: 2000, 128>}, {transform_indices = @transform_2, window_bounds = array<i64: 2000, 128>}, {transform_indices = @transform_3, window_bounds = array<i64: 2000, 1>}, {pipeline_mode = #tpu.pipeline_mode<synchronous>, transform_indices = @transform_4, window_bounds = array<i64: 1, 128>}, {pipeline_mode = #tpu.pipeline_mode<synchronous>, transform_indices = @transform_5, window_bounds = array<i64: 128, 128>}, {transform_indices = @transform_6, window_bounds = array<i64: 2000, 128>}]} {
    %get3A = arith.constant 0 : index
    %get3A_0 = arith.constant 0 : index
    %get3A_1 = vector.load %arg4[%get3A, %get3A_0] : memref<2000x1xf32, #tpu.memory_space<vmem>>, vector<2000x1xf32>
    %get3A_2 = arith.constant 0 : index
    %get3A_3 = arith.constant 0 : index
    %get3A_4 = vector.load %arg1[%get3A_2, %get3A_3] : memref<2000x128xf32, #tpu.memory_space<vmem>>, vector<2000x128xf32>
    %get3A_5 = arith.constant 0 : index
    %get3A_6 = arith.constant 0 : index
    %get3A_7 = vector.load %arg2[%get3A_5, %get3A_6] : memref<2000x128xf32, #tpu.memory_space<vmem>>, vector<2000x128xf32>
    %add3A = arith.addf %get3A_4, %get3A_7 : vector<2000x128xf32>
    %get3A_8 = arith.constant 0 : index
    %get3A_9 = arith.constant 0 : index
    %get3A_10 = vector.load %arg3[%get3A_8, %get3A_9] : memref<2000x128xf32, #tpu.memory_space<vmem>>, vector<2000x128xf32>
    %add3A_11 = arith.addf %add3A, %get3A_10 : vector<2000x128xf32>
    %mul3A = vector.broadcast %get3A_1 : vector<2000x1xf32> to vector<2000x128xf32>
    %mul3A_12 = arith.mulf %mul3A, %add3A_11 : vector<2000x128xf32>
    %get3A_13 = arith.constant 0 : index
    %get3A_14 = arith.constant 0 : index
    %get3A_15 = vector.load %arg5[%get3A_13, %get3A_14] : memref<1x128xf32, #tpu.memory_space<vmem>>, vector<1x128xf32>
    %add3A_16 = vector.broadcast %get3A_15 : vector<1x128xf32> to vector<2000x128xf32>
    %add3A_17 = arith.addf %mul3A_12, %add3A_16 : vector<2000x128xf32>
    %max3A = arith.constant 0.000000e+00 : f32
    %max3A_18 = vector.broadcast %max3A : f32 to vector<2000x128xf32>
    %max3A_19 = arith.maximumf %add3A_17, %max3A_18 : vector<2000x128xf32>
    %get3A_20 = arith.constant 0 : index
    %get3A_21 = arith.constant 0 : index
    %get3A_22 = vector.load %arg6[%get3A_20, %get3A_21] : memref<128x128xf32, #tpu.memory_space<vmem>>, vector<128x128xf32>
    %dot_general3A = arith.constant dense<0.000000e+00> : vector<2000x128xf32>
    %dot_general3A_23 = tpu.matmul %max3A_19, %get3A_22, %dot_general3A {dimension_numbers = #tpu.dot_dimension_numbers<[1], [0], [0], [1], [0, 0, 1, 1], [], []>, transpose_lhs_hint = false} : vector<2000x128xf32>, vector<128x128xf32>, vector<2000x128xf32> -> vector<2000x128xf32>
    %mul3A_24 = vector.broadcast %get3A_1 : vector<2000x1xf32> to vector<2000x128xf32>
    %mul3A_25 = arith.mulf %mul3A_24, %dot_general3A_23 : vector<2000x128xf32>
    %swap3A = arith.constant 0 : index
    %swap3A_26 = arith.constant 0 : index
    %swap3A_27 = vector.load %arg7[%swap3A, %swap3A_26] : memref<2000x128xf32, #tpu.memory_space<vmem>>, vector<2000x128xf32>
    tpu.vector_store %arg7[%swap3A, %swap3A_26], %mul3A_25 {strides = array<i32>} : memref<2000x128xf32, #tpu.memory_space<vmem>>, vector<2000x128xf32>,
    return
  }
  func.func @transform_0(%arg0: i32) -> (i32, i32) {
    %c0_i32 = arith.constant 0 : i32
    %c0_i32_0 = arith.constant 0 : i32
    return %arg0, %c0_i32 : i32, i32
  }
  func.func @transform_1(%arg0: i32) -> (i32, i32) {
    %add3A = arith.constant 5 : i32
    %add3A_0 = arith.addi %add3A, %arg0 : i32
    %c0_i32 = arith.constant 0 : i32
    %c0_i32_1 = arith.constant 0 : i32
    return %add3A_0, %c0_i32 : i32, i32
  }
  func.func @transform_2(%arg0: i32) -> (i32, i32) {
    %c0_i32 = arith.constant 0 : i32
    %c0_i32_0 = arith.constant 0 : i32
    return %arg0, %c0_i32 : i32, i32
  }
  func.func @transform_3(%arg0: i32) -> (i32, i32) {
    %c0_i32 = arith.constant 0 : i32
    %c0_i32_0 = arith.constant 0 : i32
    return %arg0, %c0_i32 : i32, i32
  }
  func.func @transform_4(%arg0: i32) -> (i32, i32) {
    %c0_i32 = arith.constant 0 : i32
    %c0_i32_0 = arith.constant 0 : i32
    %c0_i32_1 = arith.constant 0 : i32
    return %c0_i32, %c0_i32_0 : i32, i32
  }
  func.func @transform_5(%arg0: i32) -> (i32, i32) {
    %c0_i32 = arith.constant 0 : i32
    %c0_i32_0 = arith.constant 0 : i32
    %c0_i32_1 = arith.constant 0 : i32
    return %c0_i32, %c0_i32_0 : i32, i32
  }
  func.func @transform_6(%arg0: i32) -> (i32, i32) {
    %c0_i32 = arith.constant 0 : i32
    %c0_i32_0 = arith.constant 0 : i32
    return %arg0, %c0_i32 : i32, i32
  }
}

module attributes {stable_mosaic.version = 14 : i64} {
  func.func @_k3_body(%arg0: i32, %arg1: memref<2000x128xf32, #tpu.memory_space<vmem>>, %arg2: memref<2000x128xf32, #tpu.memory_space<vmem>>, %arg3: memref<2000x128xf32, #tpu.memory_space<vmem>>, %arg4: memref<2000x1xf32, #tpu.memory_space<vmem>>, %arg5: memref<1x128xf32, #tpu.memory_space<vmem>>, %arg6: memref<2000x128xf32, #tpu.memory_space<vmem>>) attributes {dimension_semantics = [#tpu.dimension_semantics<arbitrary>], iteration_bounds = array<i64: 5>, scalar_prefetch = 0 : i64, scratch_operands = 0 : i64, tpu.core_type = #tpu.core_type<tc>, window_params = [{transform_indices = @transform_0, window_bounds = array<i64: 2000, 128>}, {transform_indices = @transform_1, window_bounds = array<i64: 2000, 128>}, {transform_indices = @transform_2, window_bounds = array<i64: 2000, 128>}, {transform_indices = @transform_3, window_bounds = array<i64: 2000, 1>}, {pipeline_mode = #tpu.pipeline_mode<synchronous>, transform_indices = @transform_4, window_bounds = array<i64: 1, 128>}, {transform_indices = @transform_5, window_bounds = array<i64: 2000, 128>}]} {
    %get3A = arith.constant 0 : index
    %get3A_0 = arith.constant 0 : index
    %get3A_1 = vector.load %arg4[%get3A, %get3A_0] : memref<2000x1xf32, #tpu.memory_space<vmem>>, vector<2000x1xf32>
    %get3A_2 = arith.constant 0 : index
    %get3A_3 = arith.constant 0 : index
    %get3A_4 = vector.load %arg1[%get3A_2, %get3A_3] : memref<2000x128xf32, #tpu.memory_space<vmem>>, vector<2000x128xf32>
    %get3A_5 = arith.constant 0 : index
    %get3A_6 = arith.constant 0 : index
    %get3A_7 = vector.load %arg2[%get3A_5, %get3A_6] : memref<2000x128xf32, #tpu.memory_space<vmem>>, vector<2000x128xf32>
    %add3A = arith.addf %get3A_4, %get3A_7 : vector<2000x128xf32>
    %get3A_8 = arith.constant 0 : index
    %get3A_9 = arith.constant 0 : index
    %get3A_10 = vector.load %arg3[%get3A_8, %get3A_9] : memref<2000x128xf32, #tpu.memory_space<vmem>>, vector<2000x128xf32>
    %add3A_11 = arith.addf %add3A, %get3A_10 : vector<2000x128xf32>
    %mul3A = vector.broadcast %get3A_1 : vector<2000x1xf32> to vector<2000x128xf32>
    %mul3A_12 = arith.mulf %mul3A, %add3A_11 : vector<2000x128xf32>
    %get3A_13 = arith.constant 0 : index
    %get3A_14 = arith.constant 0 : index
    %get3A_15 = vector.load %arg5[%get3A_13, %get3A_14] : memref<1x128xf32, #tpu.memory_space<vmem>>, vector<1x128xf32>
    %add3A_16 = vector.broadcast %get3A_15 : vector<1x128xf32> to vector<2000x128xf32>
    %add3A_17 = arith.addf %mul3A_12, %add3A_16 : vector<2000x128xf32>
    %swap3A = arith.constant 0 : index
    %swap3A_18 = arith.constant 0 : index
    %swap3A_19 = vector.load %arg6[%swap3A, %swap3A_18] : memref<2000x128xf32, #tpu.memory_space<vmem>>, vector<2000x128xf32>
    tpu.vector_store %arg6[%swap3A, %swap3A_18], %add3A_17 {strides = array<i32>} : memref<2000x128xf32, #tpu.memory_space<vmem>>, vector<2000x128xf32>,
    return
  }
  func.func @transform_0(%arg0: i32) -> (i32, i32) {
    %c0_i32 = arith.constant 0 : i32
    %c0_i32_0 = arith.constant 0 : i32
    return %arg0, %c0_i32 : i32, i32
  }
  func.func @transform_1(%arg0: i32) -> (i32, i32) {
    %add3A = arith.constant 5 : i32
    %add3A_0 = arith.addi %add3A, %arg0 : i32
    %c0_i32 = arith.constant 0 : i32
    %c0_i32_1 = arith.constant 0 : i32
    return %add3A_0, %c0_i32 : i32, i32
  }
  func.func @transform_2(%arg0: i32) -> (i32, i32) {
    %c0_i32 = arith.constant 0 : i32
    %c0_i32_0 = arith.constant 0 : i32
    return %arg0, %c0_i32 : i32, i32
  }
  func.func @transform_3(%arg0: i32) -> (i32, i32) {
    %c0_i32 = arith.constant 0 : i32
    %c0_i32_0 = arith.constant 0 : i32
    return %arg0, %c0_i32 : i32, i32
  }
  func.func @transform_4(%arg0: i32) -> (i32, i32) {
    %c0_i32 = arith.constant 0 : i32
    %c0_i32_0 = arith.constant 0 : i32
    %c0_i32_1 = arith.constant 0 : i32
    return %c0_i32, %c0_i32_0 : i32, i32
  }
  func.func @transform_5(%arg0: i32) -> (i32, i32) {
    %c0_i32 = arith.constant 0 : i32
    %c0_i32_0 = arith.constant 0 : i32
    return %arg0, %c0_i32 : i32, i32
  }
}

</mosaic_0001>

<sc_bundles>
// kernel: kernel.12.cloned.1.call-start
scs
__scs_entry_jumppad:
0x0: {  	(pc) =	sbr.rel $0x88, $3  }
0x1: {  	(tag) =	ssettag $0x0;
	lr =	simm.s32 $0x1  }
0x2: {  	[smem:$0x3F9B] =	sst lr;
	_ =	strace $0xD0000000  }
0x3: {  	_ = 	snop  }
0x4: {  	_ = 	snop  }
0x5: {  	_ = 	snop  }
0x6: {  	_ = 	snop  }
0x7: {  	_ = 	snop  }
__scs_overlays_trampoline_lowered:
0x8: {  	[smem:$0x3FAA] =	sst s0  }
0x9: {  	[smem:$0x3FAB] =	sst s1  }
0xa: {  	[smem:$0x3FAC] =	sst s2  }
0xb: {  	[smem:$0x3FAD] =	sst s3  }
0xc: {  	[smem:$0x3FAE] =	sst s4  }
0xd: {  	[smem:$0x3FAF] =	sst s5  }
0xe: {  	[smem:$0x3FB0] =	sst s6  }
0xf: {  	[smem:$0x3FB1] =	sst s7  }
0x10: {  	[smem:$0x3FB2] =	sst s8  }
0x11: {  	[smem:$0x3FB3] =	sst s9;
	s0 =	simm.s32 @!p0 $0x0  }
0x12: {  	s1 =	sld [smem:$0x3F99];
	s0 =	simm.s32 @p0 $0x1  }
0x13: {  	[smem:$0x3FB4] =	sst s0;
	s0 =	simm.s32 @!p1 $0x0  }
0x14: {  	s2 =	sld [smem:$0x3F98];
	s0 =	simm.s32 @p1 $0x1  }
0x15: {  	[smem:$0x3FB5] =	sst s0;
	s0 =	simm.s32 @!p2 $0x0  }
0x16: {  	s3 =	sld [smem:$0x3FDB];
	s0 =	simm.s32 @p2 $0x1  }
0x17: {  	s4 =	simm.s32 $0x1BF5;
	[smem:$0x3FB7] =	sst s0  }
0x18: {  	s0 =	sld [smem:$0x3F9A];
	_ =	swait.ge [sflag:s4], $0x0  }
0x19: {  	s7 =	sld [smem:$0x3F9B]  }
0x1a: {  	s8 =	sadd.s32 $0xFFFFE003, lr  }
0x1b: {  	s9 =	sadd.s32 $0xFFFFFEF7, lr;
	s5 =	simm.s32 $0xFFFFFFFF;
	p2 =	slt.u32 s8, $0xFFFFF086  }
0x1c: {  	p1 =	slt.u32 s9, $0xF7A;
	s5 =	simm.s32 @!p2 $0x0  }
0x1d: {  	s5 =	simm.s32 @p1 $0x1;
	p0 =	seq.s32 s7, s2  }
0x1e: {  	s7 =	smul.u32 @!p0 $0xF7A, s2;
	p2 =	seq.s32 @!p0 s5, $0x0  }
0x1f: {  	s9 =	smul.u32 $0xF7A, s1;
	s8 =	simm.s32 @!p0 $0x1BF5;
	p2 =	por !p2, p0  }
0x20: {  	[sflag:s8] =	ssyncset.s32 @!p0 $0xFFFFF086;
	s6 =	sadd.s32 @!p0 s3, s7;
	s7 =	simm.s32 @!p0 $0x108  }
0x21: {  	s3 =	sadd.s32 s3, s9;
	s6 =	sadd.s32 @!p0 $0x88, s6;
	s7 =	simm.s32 @p2 $0x1082  }
0x22: {  	[simem:s7], [sflag:s8] =	dma.local @!p0 [hbm:s6], $0xF7A  }
0x23: {  	s9 =	sor.u32 $0xD0000000, s2;
	s6 =	simm.s32 $0x108;
	_ =	swait.ge @!p0 [sflag:s8], $0x0  }
0x24: {  	s3 =	sadd.s32 $0x88, s3;
	s6 =	simm.s32 @!p1 $0x1082;
	[sflag:s4] =	ssyncset.s32 $0xFFFFF086  }
0x25: {  	[simem:s6], [sflag:s4] =	dma.local [hbm:s3], $0xF7A  }
0x26: {  	[smem:$0x3F9B] =	sst s1;
	(tag) =	ssettag s2;
	_ =	strace s9  }
0x27: {  	s1 =	sld [smem:$0x3FAB]  }
0x28: {  	s2 =	sld [smem:$0x3FAC]  }
0x29: {  	s4 =	sld [smem:$0x3FAE]  }
0x2a: {  	p0 =	seq.s32 s5, $0x0;
	s5 =	sld [smem:$0x3FAF]  }
0x2b: {  	s6 =	sld [smem:$0x3FB0]  }
0x2c: {  	s7 =	sld [smem:$0x3FB1]  }
0x2d: {  	s3 =	simm.s32 $0x108;
	s8 =	sld [smem:$0x3FB2]  }
0x2e: {  	s3 =	simm.s32 @!p0 $0x1082;
	s9 =	sld [smem:$0x3FB3]  }
0x2f: {  	lr =	sadd.s32 s0, s3;
	s0 =	sld [smem:$0x3FAA]  }
0x30: {  	s3 =	sld [smem:$0x3FAD]  }
0x31: {  	[smem:$0x3FB6] =	sst s10  }
0x32: {  	s10 =	sld [smem:$0x3FB4];
	_ =	sdelay $0x3  }
0x33: {  	p0 =	seq.s32 s10, $0x1;
	s10 =	sld [smem:$0x3FB6];
	_ =	sdelay $0x3  }
0x34: {  	[smem:$0x3FB6] =	sst s10  }
0x35: {  	s10 =	sld [smem:$0x3FB5];
	_ =	sdelay $0x3  }
0x36: {  	p1 =	seq.s32 s10, $0x1;
	s10 =	sld [smem:$0x3FB6];
	_ =	sdelay $0x3  }
0x37: {  	[smem:$0x3FB6] =	sst s10  }
0x38: {  	s10 =	sld [smem:$0x3FB7]  }
0x39: {  	_ = 	snop;
	(pc) =	sbr.ind lr, $3  }
0x3a: {  	_ = 	snop  }
0x3b: {  	_ = 	snop  }
0x3c: {  	p2 =	seq.s32 s10, $0x1;
	s10 =	sld [smem:$0x3FB6]  }
0x3d: {  	_ =	shalt  }
0x3e: {  	_ =	shalt  }
0x3f: {  	_ =	shalt  }
0x40: {  	_ =	shalt  }
0x41: {  	_ =	shalt  }
0x42: {  	_ =	shalt  }
0x43: {  	_ =	shalt  }
0x44: {  	_ =	shalt  }
0x45: {  	_ =	shalt  }
0x46: {  	_ =	shalt  }
0x47: {  	_ =	shalt  }
0x48: {  	_ =	shalt  }
0x49: {  	_ =	shalt  }
0x4a: {  	_ =	shalt  }
0x4b: {  	_ =	shalt  }
0x4c: {  	_ =	shalt  }
0x4d: {  	_ =	shalt  }
0x4e: {  	_ =	shalt  }
0x4f: {  	_ =	shalt  }
0x50: {  	_ =	shalt  }
0x51: {  	_ =	shalt  }
0x52: {  	_ =	shalt  }
0x53: {  	_ =	shalt  }
0x54: {  	_ =	shalt  }
0x55: {  	_ =	shalt  }
0x56: {  	_ =	shalt  }
0x57: {  	_ =	shalt  }
0x58: {  	_ =	shalt  }
0x59: {  	_ =	shalt  }
0x5a: {  	_ =	shalt  }
0x5b: {  	_ =	shalt  }
0x5c: {  	_ =	shalt  }
0x5d: {  	_ =	shalt  }
0x5e: {  	_ =	shalt  }
0x5f: {  	_ =	shalt  }
0x60: {  	_ =	shalt  }
0x61: {  	_ =	shalt  }
0x62: {  	_ =	shalt  }
0x63: {  	_ =	shalt  }
0x64: {  	_ =	shalt  }
0x65: {  	_ =	shalt  }
0x66: {  	_ =	shalt  }
0x67: {  	_ =	shalt  }
0x68: {  	_ =	shalt  }
0x69: {  	_ =	shalt  }
0x6a: {  	_ =	shalt  }
0x6b: {  	_ =	shalt  }
0x6c: {  	_ =	shalt  }
0x6d: {  	_ =	shalt  }
0x6e: {  	_ =	shalt  }
0x6f: {  	_ =	shalt  }
0x70: {  	_ =	shalt  }
0x71: {  	_ =	shalt  }
0x72: {  	_ =	shalt  }
0x73: {  	_ =	shalt  }
0x74: {  	_ =	shalt  }
0x75: {  	_ =	shalt  }
0x76: {  	_ =	shalt  }
0x77: {  	_ =	shalt  }
0x78: {  	_ =	shalt  }
0x79: {  	_ =	shalt  }
0x7a: {  	_ =	shalt  }
0x7b: {  	_ =	shalt  }
0x7c: {  	_ =	shalt  }
0x7d: {  	_ =	shalt  }
0x7e: {  	_ =	shalt  }
0x7f: {  	_ =	shalt  }
0x80: {  	_ =	shalt  }
0x81: {  	_ =	shalt  }
0x82: {  	_ =	shalt  }
0x83: {  	_ =	shalt  }
0x84: {  	_ =	shalt  }
0x85: {  	_ =	shalt  }
0x86: {  	_ =	shalt  }
0x87: {  	_ =	shalt  }
.Lfunc_end0:
.L_simem_size_0:
called_computation.1_lowered:
.L_overlay_start_0:
0x88: {  	s2 =	sld [smem:$0x3FD9]  }
0x89: {  	s3 =	sld [smem:$0x3FFE];
	_ =	sdelay $0x1  }
0x8a: {  	s1 =	srdreg.scid  }
0x8b: {  	s0 =	sand.u32 $0x1, s1  }
0x8c: {  	s17 =	sshll.u32 s0, $0xA;
	s2 =	sadd.s32 s3, s2  }
0x8d: {  	s2 =	sadd.s32 s2, s17  }
0x8e: {  	[smem:$0x3FC2] =	sst s2  }
0x8f: {  	_ = 	snop  }
0x90: {  	s2 =	sld [smem:$0x3FD0];
	(tm) =	ssettm $0x1  }
0x91: {  	s18 =	sld [smem:$0x3FFB];
	_ =	sdelay $0x3  }
0x92: {  	_ =	strace s18  }
0x93: {  	s3 =	sld [smem:$0x3FFC];
	_ =	sdelay $0x3  }
0x94: {  	_ =	strace s3  }
0x95: {  	s3 =	sld [smem:$0x3FFD];
	_ =	sdelay $0x3  }
0x96: {  	_ =	strace s3  }
0x97: {  	_ =	strace $0x8FFFFFFF  }
0x98: {  	s19 =	sld [smem:$0x3FDB];
	_ =	sdelay $0x1  }
0x99: {  	s4 =	simm.s32 $_scs_section_size  }
0x9a: {  	s5 =	simm.s32 $_size__tile_overlayer_lowered;
	s6 =	simm.s32 $_tile_overlayer_lowered  }
0x9b: {  	s22 =	simm.s32 $0x1BFF;
	s21 =	sshll.u32 s6, $0x1;
	s3 =	sadd.s32 s4, s19  }
0x9c: {  	s7 =	simm.s32 $0x0;
	s20 =	sshll.u32 s5, $0x1;
	s5 =	sadd.s32 s21, s3  }
0x9d: {  	[timem:s7], [sflag:s22] =	dma.local [hbm:s5], s20  }
0x9e: {  	_ =	swait.ge [sflag:s22], s20  }
0x9f: {  	s4 =	ssub.s32 $0x0, s20;
	[sflag:s22] =	ssyncset.done $0x0  }
0xa0: {  	[sflag:s22] =	ssyncadd.s32 s4;
	_ =	sdelay $0x1  }
0xa1: {  	s23 =	simm.s32 $0x1B8B  }
0xa2: {  	_ =	swait.ge [sflag:s23], $0x1  }
0xa3: {  	[sflag:s23] =	ssyncset.done $0x0  }
0xa4: {  	s25 =	simm.s32 $0x1B8E;
	s24 =	sld [smem:$0x3FFE];
	[sflag:s23] =	ssyncadd.s32 $0xFFFFFFFF  }
0xa5: {  	s26 =	simm.s32 $execute0_lowered;
	[smem:$0x3FD2] =	sst s25  }
0xa6: {  	s5 =	sshll.u32 s26, $0x1;
	_ =	strace $0x80000049;
	[dreg:$0x1] =	wrdreg $0xFFFFFFFF  }
0xa7: {  	s28 =	simm.s32 $_size_execute0_lowered;
	s3 =	sadd.s32 s3, s5;
	[dreg:$0x0] =	wrdreg $0x0  }
0xa8: {  	s5 =	sshll.u32 s28, $0x1;
	[dreg:$0x2] =	wrdreg s3  }
0xa9: {  	[dreg:$0x3] =	wrdreg s5  }
0xaa: {  	[dreg:$0x4] =	wrdreg $0xC0  }
0xab: {  	_ =	task [dreg:s7], $0x5FFFF  }
0xac: {  	[dreg:$0x1] =	wrdreg $0xFFFFFFFF  }
0xad: {  	[dreg:$0x0] =	wrdreg $0x60  }
0xae: {  	[dreg:$0x2] =	wrdreg s2  }
0xaf: {  	[dreg:$0x3] =	wrdreg s24  }
0xb0: {  	[dreg:$0x4] =	wrdreg $0xC7000  }
0xb1: {  	[dreg:$0x5] =	wrdreg $0x9  }
0xb2: {  	_ =	task.clear_ibuf [dreg:s7], $0x6FFFF;
	_ =	strace $0x90000049  }
0xb3: {  	s29 =	simm.s32 $0x9;
	_ =	strace $0x8000004B  }
0xb4: {  	_ =	swait.ge [sflag:s29], $0x1  }
0xb5: {  	[sflag:s29] =	ssyncadd.s32 $0xFFFFFFFF  }
0xb6: {  	_ =	strace $0x9000004B  }
0xb7: {  	_ =	sfence  }
0xb8: {  	s30 =	sld [smem:$0x0];
	_ =	sdelay $0x2  }
0xb9: {  	s31 =	sshll.u32 s1, $0xD;
	s1 =	sshrl.u32 s1, $0x2  }
0xba: {  	s3 =	sand.u32 $0x4000, s31;
	s1 =	sadd.s32 s1, s30  }
0xbb: {  	s0 =	sor.u32 s3, s0;
	s1 =	sshll.u32 s1, $0x11  }
0xbc: {  	s0 =	sor.u32 s1, s0  }
0xbd: {  	s0 =	sadd.s32 $0x8F2B, s0  }
0xbe: {  	[sflag:s0] =	ssyncadd.remote.s32 $0x1  }
0xbf: {  	_ =	sfence.sel $0xFFFF  }
0xc0: {  	[dreg:$0x0] =	wrdreg $0xFFFFFFFF;
	(pc) =	sbr.abs _section_cstart, $3  }
0xc1: {  	[dreg:$0x1] =	wrdreg $0xFFFFFFFF  }
0xc2: {  	_ =	task.clear_ibuf [dreg:s7], $0x2FFFF;
	_ =	strace $0x9FFFFFFF  }
0xc3: {  	(tm) =	ssettm $0x7FFFFFFF  }
tec
execute0_lowered:
.L_overlay_start_1:
0x0: {  	(tag) =	ssettag $0x1  }
0x1: {  	s0 =	srdreg.scid;
	s1 =	rddreg [dreg:$0x0]  }
0x2: {  	s2 =	rddreg [dreg:$0x1];
	s17 =	stileid.u32  }
0x3: {  	s3 =	rddreg [dreg:$0x2];
	s12 =	simm.s32 $0x80;
	s13 =	simm.s32 $0x400  }
0x4: {  	s14 =	simm.s32 $0x4;
	s19 =	simm.s32 $0x50;
	s20 =	simm.s32 $0x4F00  }
0x5: {  	s21 =	simm.s32 $0x7700;
	s23 =	simm.s32 $0x9F00;
	s24 =	simm.s32 $0x1  }
0x6: {  	s25 =	simm.s32 $0x2;
	s26 =	simm.s32 $0x3;
	s31 =	simm.s32 $0x26C0  }
0x7: {  	s22 =	simm.s32 $0x0;
	s0 =	sand.u32 $0x1, s0;
	s28 =	sshll.u32 s17, $0x7  }
0x8: {  	s8 =	smul.u32 $0x4E000, s17;
	s16 =	sadd.s32 $0x124800, s3;
	p0 =	seq.s32 s17, $0xF  }
0x9: {  	s4 =	sshll.u32 s0, $0x4;
	s7 =	sand.u32 $0x380, s28;
	s29 =	smul.u32 $0x27100, s0  }
0xa: {  	s0 =	ssub.s32 $0x2, s0;
	s16 =	sshrl.u32 @p0 s16, $0x3;
	s4 =	sor.u32 s17, s4  }
0xb: {  	s30 =	sshrl.u32 s0, $0x1;
	s8 =	sshrl.u32 s8, $0x2;
	s5 =	sshrl.u32 s4, $0x3  }
0xc: {  	s4 =	simm.s32 $0x0;
	s11 =	sadd.s32 s29, s2;
	s6 =	smul.u32 $0x13C00, s5  }
0xd: {  	s0 =	ssub.s32 s0, s30;
	s15 =	sadd.s32 s8, s3;
	s5 =	smul.u32 $0x2700, s17  }
0xe: {  	[smem:$0x7FF] =	sst s4;
	s18 =	sshrl.u32 @!p0 s15, $0x3;
	s15 =	simm.s32 $0x4E40  }
0xf: {  	_ =	strace $0x8000004A;
	s6 =	sor.u32 s7, s6;
	s10 =	sadd.s32 s5, s2  }
0x10: {  	s6 =	sshrl.u32 s6, $0x3;
	s8 =	sadd.s32 $0x16C00, s10;
	s10 =	sadd.s32 $0x3DE00, s11  }
0x11: {  	s11 =	smax.u32 s0, $0x1;
	s0 =	sshll.u32 @!p0 s17, $0x6;
	s9 =	sadd.s32 s6, s2  }
0x12: {  	s17 =	sor.u32 @!p0 $0x1C04, s0;
	s0 =	simm.s32 $0x4DF0;
	s6 =	sadd.s32 $0xCE00, s9  }
0x13: {  	s7 =	sadd.s32 $0x3000, s9;
	s9 =	sadd.s32 $0x3B500, s2;
	s2 =	simm.s32 $0x4DA0  }
.LBB2_1:
0x14: {  	[tilespmem:s4], [sflag:$0x4] =	stream.strided.gather [hbm4b:s6+s12], $0x2780, s13, s12, $0x38;
	[tilespmem:$0x1FF80] =	vst v63  }
0x15: {  	_ =	swait.ge [sflag:s14], $0x2780  }
0x16: {  	[sflag:s14] =	ssyncset.done $0x0  }
0x17: {  	s28 =	simm.s32 $0x2780;
	[sflag:s14] =	ssyncadd.s32 $0xFFFFD880  }
0x18: {  	[tilespmem:s28], [sflag:$0x4] =	stream.strided.gather [hbm4b:s7+s12], $0x2780, s13, s12, $0x38;
	[tilespmem:$0x1FF80] =	vst v63  }
0x19: {  	_ =	swait.ge [sflag:s14], $0x2780  }
0x1a: {  	[sflag:s14] =	ssyncset.done $0x0  }
0x1b: {  	s28 =	simm.s32 @p0 $0x1FC4;
	[sflag:s14] =	ssyncadd.s32 $0xFFFFD880  }
0x1c: {  	[spmem:s16], [sflag:s28] =	dma.local @p0 [hbm:s9], $0x2800  }
0x1d: {  	s28 =	simm.s32 @p0 $0x4  }
0x1e: {  	_ =	swait.ge @p0 [sflag:s28], $0x2800  }
0x1f: {  	[sflag:s28] =	ssyncset.done @p0 $0x0  }
0x20: {  	[sflag:s28] =	ssyncadd.s32 @p0 $0xFFFFD800;
	s28 =	simm.s32 @!p0 $0x4  }
0x21: {  	[spmem:s18], [sflag:s17] =	dma.local @!p0 [hbm:s8], $0x2700  }
0x22: {  	_ =	swait.ge @!p0 [sflag:s28], $0x2700  }
0x23: {  	[sflag:s28] =	ssyncset.done @!p0 $0x0  }
0x24: {  	[sflag:s28] =	ssyncadd.s32 @!p0 $0xFFFFD900  }
0x25: {  	[bflag:$0x0] =	sbarrier.arrive $0xFFFF  }
0x26: {  	[tilespmem:s20], [sflag:$0x1] =	stream.indirect.gather [hbm4b:s1+s19], $0x80, s4, s19, $0xb8;
	[tilespmem:$0x1FF80] =	vst v63  }
0x27: {  	_ = 	snop  }
0x28: {  	[tilespmem:s21], [sflag:$0x2] =	stream.indirect.gather [hbm4b:s1+s19], $0x80, s19, s19, $0xb8;
	[tilespmem:$0x1FF80] =	vst v63  }
0x29: {  	s28 =	simm.s32 $0xA0  }
0x2a: {  	[tilespmem:s23], [sflag:$0x3] =	stream.indirect.gather [hbm4b:s1+s19], $0x80, s28, s19, $0xb8;
	[tilespmem:$0x1FF80] =	vst v63  }
0x2b: {  	_ =	swait.ge [sflag:s24], $0x2800  }
0x2c: {  	[sflag:s24] =	ssyncset.done $0x0  }
0x2d: {  	s28 =	simm.s32 $0x2780;
	[sflag:s24] =	ssyncadd.s32 $0xFFFFD800  }
0x2e: {  	[spmem:s3] =	stream.indirect.scatter.add.f32 [tilespmem:s20], [sflag:$0x4], $0x80, s28, s19, $0xb8;
	[tilespmem:$0x1FF80] =	vst v63  }
0x2f: {  	_ =	swait.ge [sflag:s14], $0x2800  }
0x30: {  	[sflag:s14] =	ssyncset.done $0x0  }
0x31: {  	s28 =	simm.s32 $0xF0;
	[sflag:s14] =	ssyncadd.s32 $0xFFFFD800  }
0x32: {  	[tilespmem:s20], [sflag:$0x1] =	stream.indirect.gather [hbm4b:s1+s19], $0x80, s28, s19, $0xb8;
	[tilespmem:$0x1FF80] =	vst v63  }
0x33: {  	_ =	swait.ge [sflag:s25], $0x2800  }
0x34: {  	[sflag:s25] =	ssyncset.done $0x0  }
0x35: {  	s28 =	simm.s32 $0x27D0;
	[sflag:s25] =	ssyncadd.s32 $0xFFFFD800  }
0x36: {  	[spmem:s3] =	stream.indirect.scatter.add.f32 [tilespmem:s21], [sflag:$0x4], $0x80, s28, s19, $0xb8;
	[tilespmem:$0x1FF80] =	vst v63  }
0x37: {  	_ =	swait.ge [sflag:s14], $0x2800  }
0x38: {  	[sflag:s14] =	ssyncset.done $0x0  }
0x39: {  	s28 =	simm.s32 $0x140;
	[sflag:s14] =	ssyncadd.s32 $0xFFFFD800  }
0x3a: {  	[tilespmem:s21], [sflag:$0x2] =	stream.indirect.gather [hbm4b:s1+s19], $0x80, s28, s19, $0xb8;
	[tilespmem:$0x1FF80] =	vst v63  }
0x3b: {  	_ =	swait.ge [sflag:s26], $0x2800  }
0x3c: {  	[sflag:s26] =	ssyncset.done $0x0  }
0x3d: {  	s28 =	simm.s32 $0x2820;
	[sflag:s26] =	ssyncadd.s32 $0xFFFFD800  }
0x3e: {  	[spmem:s3] =	stream.indirect.scatter.add.f32 [tilespmem:s23], [sflag:$0x4], $0x80, s28, s19, $0xb8;
	[tilespmem:$0x1FF80] =	vst v63  }
0x3f: {  	_ =	swait.ge [sflag:s14], $0x2800  }
0x40: {  	[sflag:s14] =	ssyncset.done $0x0  }
0x41: {  	s29 =	simm.s32 $0x190;
	s28 =	simm.s32 $0x3C0;
	[sflag:s14] =	ssyncadd.s32 $0xFFFFD800  }
.LBB2_2:
0x42: {  	[tilespmem:s23], [sflag:$0x3] =	stream.indirect.gather [hbm4b:s1+s19], $0x80, s29, s19, $0xb8;
	[tilespmem:$0x1FF80] =	vst v63  }
0x43: {  	s29 =	smov.u32 s28  }
0x44: {  	p1 =	sne.s32 s28, $0x9240;
	s28 =	sadd.s32 $0x3C0, s28;
	_ =	swait.ge [sflag:s24], $0x2800  }
0x45: {  	s29 =	sshra.s32 s29, $0x2;
	[sflag:s24] =	ssyncset.done $0x0  }
0x46: {  	s30 =	sadd.s32 $0x2780, s29;
	[sflag:s24] =	ssyncadd.s32 $0xFFFFD800  }
0x47: {  	[spmem:s3] =	stream.indirect.scatter.add.f32 [tilespmem:s20], [sflag:$0x4], $0x80, s30, s19, $0xb8;
	[tilespmem:$0x1FF80] =	vst v63  }
0x48: {  	_ =	swait.ge [sflag:s14], $0x2800  }
0x49: {  	[sflag:s14] =	ssyncset.done $0x0  }
0x4a: {  	s30 =	sadd.s32 $0xF0, s29;
	[sflag:s14] =	ssyncadd.s32 $0xFFFFD800  }
0x4b: {  	[tilespmem:s20], [sflag:$0x1] =	stream.indirect.gather [hbm4b:s1+s19], $0x80, s30, s19, $0xb8;
	[tilespmem:$0x1FF80] =	vst v63  }
0x4c: {  	_ =	swait.ge [sflag:s25], $0x2800  }
0x4d: {  	[sflag:s25] =	ssyncset.done $0x0  }
0x4e: {  	s30 =	sadd.s32 $0x27D0, s29;
	[sflag:s25] =	ssyncadd.s32 $0xFFFFD800  }
0x4f: {  	[spmem:s3] =	stream.indirect.scatter.add.f32 [tilespmem:s21], [sflag:$0x4], $0x80, s30, s19, $0xb8;
	[tilespmem:$0x1FF80] =	vst v63  }
0x50: {  	_ =	swait.ge [sflag:s14], $0x2800  }
0x51: {  	[sflag:s14] =	ssyncset.done $0x0  }
0x52: {  	s30 =	sadd.s32 $0x140, s29;
	[sflag:s14] =	ssyncadd.s32 $0xFFFFD800  }
0x53: {  	[tilespmem:s21], [sflag:$0x2] =	stream.indirect.gather [hbm4b:s1+s19], $0x80, s30, s19, $0xb8;
	[tilespmem:$0x1FF80] =	vst v63  }
0x54: {  	_ =	swait.ge [sflag:s26], $0x2800  }
0x55: {  	[sflag:s26] =	ssyncset.done $0x0  }
.Ltmp0:
0x56: {  	s30 =	sadd.s32 $0x2820, s29;
	[sflag:s26] =	ssyncadd.s32 $0xFFFFD800;
	(pc) =	sbr.rel @p1 .LBB2_2-.Ltmp0, $4  }
0x57: {  	[spmem:s3] =	stream.indirect.scatter.add.f32 [tilespmem:s23], [sflag:$0x4], $0x80, s30, s19, $0xb8;
	[tilespmem:$0x1FF80] =	vst v63  }
0x58: {  	_ =	swait.ge [sflag:s14], $0x2800  }
0x59: {  	[sflag:s14] =	ssyncset.done $0x0  }
0x5a: {  	s29 =	sadd.s32 $0x190, s29;
	[sflag:s14] =	ssyncadd.s32 $0xFFFFD800  }
0x5b: {  	[tilespmem:s23], [sflag:$0x3] =	stream.indirect.gather [hbm4b:s1+s19], $0x80, s29, s19, $0xb8;
	[tilespmem:$0x1FF80] =	vst v63  }
0x5c: {  	_ =	swait.ge [sflag:s24], $0x2800  }
0x5d: {  	[sflag:s24] =	ssyncset.done $0x0  }
0x5e: {  	s28 =	simm.s32 $0x4D00;
	[sflag:s24] =	ssyncadd.s32 $0xFFFFD800  }
0x5f: {  	[spmem:s3] =	stream.indirect.scatter.add.f32 [tilespmem:s20], [sflag:$0x4], $0x80, s28, s19, $0xb8;
	[tilespmem:$0x1FF80] =	vst v63  }
0x60: {  	_ =	swait.ge [sflag:s14], $0x2800  }
0x61: {  	[sflag:s14] =	ssyncset.done $0x0  }
0x62: {  	s29 =	simm.s32 $0x2670;
	[sflag:s14] =	ssyncadd.s32 $0xFFFFD800  }
0x63: {  	[tilespmem:s20], [sflag:$0x1] =	stream.indirect.gather [hbm4b:s1+s19], $0x80, s29, s19, $0xb8;
	[tilespmem:$0x1FF80] =	vst v63  }
0x64: {  	_ =	swait.ge [sflag:s25], $0x2800  }
0x65: {  	[sflag:s25] =	ssyncset.done $0x0  }
0x66: {  	s30 =	simm.s32 $0x4D50;
	[sflag:s25] =	ssyncadd.s32 $0xFFFFD800  }
0x67: {  	[spmem:s3] =	stream.indirect.scatter.add.f32 [tilespmem:s21], [sflag:$0x4], $0x80, s30, s19, $0xb8;
	[tilespmem:$0x1FF80] =	vst v63  }
0x68: {  	_ =	swait.ge [sflag:s14], $0x2800  }
0x69: {  	[sflag:s14] =	ssyncset.done $0x0  }
0x6a: {  	[sflag:s14] =	ssyncadd.s32 $0xFFFFD800  }
0x6b: {  	[tilespmem:s21], [sflag:$0x2] =	stream.indirect.gather [hbm4b:s1+s19], $0x80, s31, s19, $0xb8;
	[tilespmem:$0x1FF80] =	vst v63  }
0x6c: {  	_ =	swait.ge [sflag:s26], $0x2800  }
0x6d: {  	[sflag:s26] =	ssyncset.done $0x0  }
0x6e: {  	[sflag:s26] =	ssyncadd.s32 $0xFFFFD800  }
0x6f: {  	[spmem:s3] =	stream.indirect.scatter.add.f32 [tilespmem:s23], [sflag:$0x4], $0x80, s2, s19, $0xb8;
	[tilespmem:$0x1FF80] =	vst v63  }
0x70: {  	_ =	swait.ge [sflag:s14], $0x2800  }
0x71: {  	[sflag:s14] =	ssyncset.done $0x0  }
0x72: {  	[sflag:s14] =	ssyncadd.s32 $0xFFFFD800  }
0x73: {  	_ =	swait.ge [sflag:s24], $0x2800  }
0x74: {  	[sflag:s24] =	ssyncset.done $0x0  }
0x75: {  	[sflag:s24] =	ssyncadd.s32 $0xFFFFD800  }
0x76: {  	[spmem:s3] =	stream.indirect.scatter.add.f32 [tilespmem:s20], [sflag:$0x4], $0x80, s0, s19, $0xb8;
	[tilespmem:$0x1FF80] =	vst v63  }
0x77: {  	_ =	swait.ge [sflag:s14], $0x2800  }
0x78: {  	[sflag:s14] =	ssyncset.done $0x0  }
0x79: {  	[sflag:s14] =	ssyncadd.s32 $0xFFFFD800  }
0x7a: {  	_ =	swait.ge [sflag:s25], $0x2800  }
0x7b: {  	[sflag:s25] =	ssyncset.done $0x0  }
0x7c: {  	[sflag:s25] =	ssyncadd.s32 $0xFFFFD800  }
0x7d: {  	[spmem:s3] =	stream.indirect.scatter.add.f32 [tilespmem:s21], [sflag:$0x4], $0x80, s15, s19, $0xb8;
	[tilespmem:$0x1FF80] =	vst v63  }
0x7e: {  	_ =	swait.ge [sflag:s14], $0x2800  }
0x7f: {  	[sflag:s14] =	ssyncset.done $0x0  }
0x80: {  	[sflag:s14] =	ssyncadd.s32 $0xFFFFD800  }
0x81: {  	s28 =	sadd.s32 @p0 $0x24900, s10;
	s29 =	simm.s32 @p0 $0x1FC4;
	[bflag:$0x0] =	sbarrier.arrive $0xFFFF  }
0x82: {  	[hbm:s28], [sflag:s29] =	dma.local @p0 [spmem:s16], $0x2800  }
0x83: {  	s28 =	simm.s32 @p0 $0x4  }
0x84: {  	_ =	swait.ge @p0 [sflag:s28], $0x2800  }
0x85: {  	s22 =	sadd.s32 $0x1, s22;
	[sflag:s28] =	ssyncset.done @p0 $0x0  }
0x86: {  	p1 =	sne.s32 s22, s11;
	[sflag:s28] =	ssyncadd.s32 @p0 $0xFFFFD800;
	s28 =	sadd.s32 @!p0 s5, s10  }
0x87: {  	[hbm:s28], [sflag:s17] =	dma.local @!p0 [spmem:s18], $0x2700  }
.Ltmp1:
0x88: {  	_ = 	snop;
	(pc) =	sbr.rel @p1 .LBB2_1-.Ltmp1, $4  }
0x89: {  	s28 =	simm.s32 @!p0 $0x4  }
0x8a: {  	_ =	swait.ge @!p0 [sflag:s28], $0x2700  }
0x8b: {  	[sflag:s28] =	ssyncset.done @!p0 $0x0  }
0x8c: {  	[sflag:s28] =	ssyncadd.s32 @!p0 $0xFFFFD900  }
0x8d: {  	_ =	sfence.sel $0x180000  }
0x8e: {  	[bflag:$0x0] =	sbarrier.arrive $0xFFFF  }
0x8f: {  	_ =	strace $0x9000004A  }
0x90: {  	s0 =	stileid.u32;
	[bflag:$0x2] =	sbarrier.arrive $0xFFFF  }
0x91: {  	p0 =	sne.s32 s0, $0x0;
	s0 =	rddreg [dreg:$0x3]  }
0x92: {  	s0 =	sadd.s32 @!p0 $0x100000, s0  }
0x93: {  	[sflag:s0] =	ssyncadd.tile.s32 @!p0 $0x1;
	_ =	shalt  }
.Lfunc_end2:
_tile_overlayer_lowered:
.L_overlay_start_2:
0x94: {  	(tag) =	ssettag $0x2  }
0x95: {  	s0 =	rddreg [dreg:$0x0];
	s2 =	stileid.u32  }
0x96: {  	s1 =	rddreg [dreg:$0x1];
	p0 =	sne.s32 s2, $0x0  }
0x97: {  	s3 =	rddreg [dreg:$0x2];
	[bflag:$0x3] =	sbarrier.arrive $0xFFFF;
	s2 =	simm.s32 @!p0 $0x1C04  }
0x98: {  	[timem:s3], [sflag:s2] =	dma.local @!p0 [hbm:s0], s1  }
0x99: {  	s0 =	simm.s32 @!p0 $0x4  }
0x9a: {  	_ =	swait.ge @!p0 [sflag:s0], s1  }
0x9b: {  	s1 =	ssub.s32 @!p0 $0x0, s1;
	[sflag:s0] =	ssyncset.done @!p0 $0x0  }
0x9c: {  	[sflag:s0] =	ssyncadd.s32 @!p0 s1  }
0x9d: {  	[bflag:$0x3] =	sbarrier.arrive $0xFFFF  }
0x9e: {  	_ =	shalt  }

// kernel: kernel.15.cloned.1.call-start
scs
__scs_entry_jumppad:
0x0: {  	(pc) =	sbr.rel $0x88, $3  }
0x1: {  	(tag) =	ssettag $0x0;
	lr =	simm.s32 $0x1  }
0x2: {  	[smem:$0x3F9B] =	sst lr;
	_ =	strace $0xD0000000  }
0x3: {  	_ = 	snop  }
0x4: {  	_ = 	snop  }
0x5: {  	_ = 	snop  }
0x6: {  	_ = 	snop  }
0x7: {  	_ = 	snop  }
__scs_overlays_trampoline_lowered:
0x8: {  	[smem:$0x3FAA] =	sst s0  }
0x9: {  	[smem:$0x3FAB] =	sst s1  }
0xa: {  	[smem:$0x3FAC] =	sst s2  }
0xb: {  	[smem:$0x3FAD] =	sst s3  }
0xc: {  	[smem:$0x3FAE] =	sst s4  }
0xd: {  	[smem:$0x3FAF] =	sst s5  }
0xe: {  	[smem:$0x3FB0] =	sst s6  }
0xf: {  	[smem:$0x3FB1] =	sst s7  }
0x10: {  	[smem:$0x3FB2] =	sst s8  }
0x11: {  	[smem:$0x3FB3] =	sst s9;
	s0 =	simm.s32 @!p0 $0x0  }
0x12: {  	s1 =	sld [smem:$0x3F99];
	s0 =	simm.s32 @p0 $0x1  }
0x13: {  	[smem:$0x3FB4] =	sst s0;
	s0 =	simm.s32 @!p1 $0x0  }
0x14: {  	s2 =	sld [smem:$0x3F98];
	s0 =	simm.s32 @p1 $0x1  }
0x15: {  	[smem:$0x3FB5] =	sst s0;
	s0 =	simm.s32 @!p2 $0x0  }
0x16: {  	s3 =	sld [smem:$0x3FDB];
	s0 =	simm.s32 @p2 $0x1  }
0x17: {  	s4 =	simm.s32 $0x1BF5;
	[smem:$0x3FB7] =	sst s0  }
0x18: {  	s0 =	sld [smem:$0x3F9A];
	_ =	swait.ge [sflag:s4], $0x0  }
0x19: {  	s7 =	sld [smem:$0x3F9B]  }
0x1a: {  	s8 =	sadd.s32 $0xFFFFE003, lr  }
0x1b: {  	s9 =	sadd.s32 $0xFFFFFEF7, lr;
	s5 =	simm.s32 $0xFFFFFFFF;
	p2 =	slt.u32 s8, $0xFFFFF086  }
0x1c: {  	p1 =	slt.u32 s9, $0xF7A;
	s5 =	simm.s32 @!p2 $0x0  }
0x1d: {  	s5 =	simm.s32 @p1 $0x1;
	p0 =	seq.s32 s7, s2  }
0x1e: {  	s7 =	smul.u32 @!p0 $0xF7A, s2;
	p2 =	seq.s32 @!p0 s5, $0x0  }
0x1f: {  	s9 =	smul.u32 $0xF7A, s1;
	s8 =	simm.s32 @!p0 $0x1BF5;
	p2 =	por !p2, p0  }
0x20: {  	[sflag:s8] =	ssyncset.s32 @!p0 $0xFFFFF086;
	s6 =	sadd.s32 @!p0 s3, s7;
	s7 =	simm.s32 @!p0 $0x108  }
0x21: {  	s3 =	sadd.s32 s3, s9;
	s6 =	sadd.s32 @!p0 $0x88, s6;
	s7 =	simm.s32 @p2 $0x1082  }
0x22: {  	[simem:s7], [sflag:s8] =	dma.local @!p0 [hbm:s6], $0xF7A  }
0x23: {  	s9 =	sor.u32 $0xD0000000, s2;
	s6 =	simm.s32 $0x108;
	_ =	swait.ge @!p0 [sflag:s8], $0x0  }
0x24: {  	s3 =	sadd.s32 $0x88, s3;
	s6 =	simm.s32 @!p1 $0x1082;
	[sflag:s4] =	ssyncset.s32 $0xFFFFF086  }
0x25: {  	[simem:s6], [sflag:s4] =	dma.local [hbm:s3], $0xF7A  }
0x26: {  	[smem:$0x3F9B] =	sst s1;
	(tag) =	ssettag s2;
	_ =	strace s9  }
0x27: {  	s1 =	sld [smem:$0x3FAB]  }
0x28: {  	s2 =	sld [smem:$0x3FAC]  }
0x29: {  	s4 =	sld [smem:$0x3FAE]  }
0x2a: {  	p0 =	seq.s32 s5, $0x0;
	s5 =	sld [smem:$0x3FAF]  }
0x2b: {  	s6 =	sld [smem:$0x3FB0]  }
0x2c: {  	s7 =	sld [smem:$0x3FB1]  }
0x2d: {  	s3 =	simm.s32 $0x108;
	s8 =	sld [smem:$0x3FB2]  }
0x2e: {  	s3 =	simm.s32 @!p0 $0x1082;
	s9 =	sld [smem:$0x3FB3]  }
0x2f: {  	lr =	sadd.s32 s0, s3;
	s0 =	sld [smem:$0x3FAA]  }
0x30: {  	s3 =	sld [smem:$0x3FAD]  }
0x31: {  	[smem:$0x3FB6] =	sst s10  }
0x32: {  	s10 =	sld [smem:$0x3FB4];
	_ =	sdelay $0x3  }
0x33: {  	p0 =	seq.s32 s10, $0x1;
	s10 =	sld [smem:$0x3FB6];
	_ =	sdelay $0x3  }
0x34: {  	[smem:$0x3FB6] =	sst s10  }
0x35: {  	s10 =	sld [smem:$0x3FB5];
	_ =	sdelay $0x3  }
0x36: {  	p1 =	seq.s32 s10, $0x1;
	s10 =	sld [smem:$0x3FB6];
	_ =	sdelay $0x3  }
0x37: {  	[smem:$0x3FB6] =	sst s10  }
0x38: {  	s10 =	sld [smem:$0x3FB7]  }
0x39: {  	_ = 	snop;
	(pc) =	sbr.ind lr, $3  }
0x3a: {  	_ = 	snop  }
0x3b: {  	_ = 	snop  }
0x3c: {  	p2 =	seq.s32 s10, $0x1;
	s10 =	sld [smem:$0x3FB6]  }
0x3d: {  	_ =	shalt  }
0x3e: {  	_ =	shalt  }
0x3f: {  	_ =	shalt  }
0x40: {  	_ =	shalt  }
0x41: {  	_ =	shalt  }
0x42: {  	_ =	shalt  }
0x43: {  	_ =	shalt  }
0x44: {  	_ =	shalt  }
0x45: {  	_ =	shalt  }
0x46: {  	_ =	shalt  }
0x47: {  	_ =	shalt  }
0x48: {  	_ =	shalt  }
0x49: {  	_ =	shalt  }
0x4a: {  	_ =	shalt  }
0x4b: {  	_ =	shalt  }
0x4c: {  	_ =	shalt  }
0x4d: {  	_ =	shalt  }
0x4e: {  	_ =	shalt  }
0x4f: {  	_ =	shalt  }
0x50: {  	_ =	shalt  }
0x51: {  	_ =	shalt  }
0x52: {  	_ =	shalt  }
0x53: {  	_ =	shalt  }
0x54: {  	_ =	shalt  }
0x55: {  	_ =	shalt  }
0x56: {  	_ =	shalt  }
0x57: {  	_ =	shalt  }
0x58: {  	_ =	shalt  }
0x59: {  	_ =	shalt  }
0x5a: {  	_ =	shalt  }
0x5b: {  	_ =	shalt  }
0x5c: {  	_ =	shalt  }
0x5d: {  	_ =	shalt  }
0x5e: {  	_ =	shalt  }
0x5f: {  	_ =	shalt  }
0x60: {  	_ =	shalt  }
0x61: {  	_ =	shalt  }
0x62: {  	_ =	shalt  }
0x63: {  	_ =	shalt  }
0x64: {  	_ =	shalt  }
0x65: {  	_ =	shalt  }
0x66: {  	_ =	shalt  }
0x67: {  	_ =	shalt  }
0x68: {  	_ =	shalt  }
0x69: {  	_ =	shalt  }
0x6a: {  	_ =	shalt  }
0x6b: {  	_ =	shalt  }
0x6c: {  	_ =	shalt  }
0x6d: {  	_ =	shalt  }
0x6e: {  	_ =	shalt  }
0x6f: {  	_ =	shalt  }
0x70: {  	_ =	shalt  }
0x71: {  	_ =	shalt  }
0x72: {  	_ =	shalt  }
0x73: {  	_ =	shalt  }
0x74: {  	_ =	shalt  }
0x75: {  	_ =	shalt  }
0x76: {  	_ =	shalt  }
0x77: {  	_ =	shalt  }
0x78: {  	_ =	shalt  }
0x79: {  	_ =	shalt  }
0x7a: {  	_ =	shalt  }
0x7b: {  	_ =	shalt  }
0x7c: {  	_ =	shalt  }
0x7d: {  	_ =	shalt  }
0x7e: {  	_ =	shalt  }
0x7f: {  	_ =	shalt  }
0x80: {  	_ =	shalt  }
0x81: {  	_ =	shalt  }
0x82: {  	_ =	shalt  }
0x83: {  	_ =	shalt  }
0x84: {  	_ =	shalt  }
0x85: {  	_ =	shalt  }
0x86: {  	_ =	shalt  }
0x87: {  	_ =	shalt  }
.Lfunc_end0:
.L_simem_size_0:
called_computation.2_lowered:
.L_overlay_start_0:
0x88: {  	s2 =	sld [smem:$0x3FD9]  }
0x89: {  	s3 =	sld [smem:$0x3FFE];
	_ =	sdelay $0x1  }
0x8a: {  	s1 =	srdreg.scid  }
0x8b: {  	s0 =	sand.u32 $0x1, s1  }
0x8c: {  	s17 =	sshll.u32 s0, $0xA;
	s2 =	sadd.s32 s3, s2  }
0x8d: {  	s2 =	sadd.s32 s2, s17  }
0x8e: {  	[smem:$0x3FC2] =	sst s2  }
0x8f: {  	_ = 	snop  }
0x90: {  	s2 =	sld [smem:$0x3FD0];
	(tm) =	ssettm $0x1  }
0x91: {  	s18 =	sld [smem:$0x3FFB];
	_ =	sdelay $0x3  }
0x92: {  	_ =	strace s18  }
0x93: {  	s3 =	sld [smem:$0x3FFC];
	_ =	sdelay $0x3  }
0x94: {  	_ =	strace s3  }
0x95: {  	s3 =	sld [smem:$0x3FFD];
	_ =	sdelay $0x3  }
0x96: {  	_ =	strace s3  }
0x97: {  	_ =	strace $0x8FFFFFFF  }
0x98: {  	s19 =	sld [smem:$0x3FDB];
	_ =	sdelay $0x1  }
0x99: {  	s4 =	simm.s32 $_scs_section_size  }
0x9a: {  	s5 =	simm.s32 $_size__tile_overlayer_lowered;
	s6 =	simm.s32 $_tile_overlayer_lowered  }
0x9b: {  	s22 =	simm.s32 $0x1BFF;
	s21 =	sshll.u32 s6, $0x1;
	s3 =	sadd.s32 s4, s19  }
0x9c: {  	s7 =	simm.s32 $0x0;
	s20 =	sshll.u32 s5, $0x1;
	s5 =	sadd.s32 s21, s3  }
0x9d: {  	[timem:s7], [sflag:s22] =	dma.local [hbm:s5], s20  }
0x9e: {  	_ =	swait.ge [sflag:s22], s20  }
0x9f: {  	s4 =	ssub.s32 $0x0, s20;
	[sflag:s22] =	ssyncset.done $0x0  }
0xa0: {  	[sflag:s22] =	ssyncadd.s32 s4;
	_ =	sdelay $0x1  }
0xa1: {  	s23 =	simm.s32 $0x1B8B  }
0xa2: {  	_ =	swait.ge [sflag:s23], $0x1  }
0xa3: {  	[sflag:s23] =	ssyncset.done $0x0  }
0xa4: {  	s25 =	simm.s32 $0x1B8E;
	s24 =	sld [smem:$0x3FFE];
	[sflag:s23] =	ssyncadd.s32 $0xFFFFFFFF  }
0xa5: {  	s26 =	simm.s32 $execute0_lowered;
	[smem:$0x3FD2] =	sst s25  }
0xa6: {  	s5 =	sshll.u32 s26, $0x1;
	_ =	strace $0x8000004C;
	[dreg:$0x1] =	wrdreg $0xFFFFFFFF  }
0xa7: {  	s28 =	simm.s32 $_size_execute0_lowered;
	s3 =	sadd.s32 s3, s5;
	[dreg:$0x0] =	wrdreg $0x0  }
0xa8: {  	s5 =	sshll.u32 s28, $0x1;
	[dreg:$0x2] =	wrdreg s3  }
0xa9: {  	[dreg:$0x3] =	wrdreg s5  }
0xaa: {  	[dreg:$0x4] =	wrdreg $0xC0  }
0xab: {  	_ =	task [dreg:s7], $0x5FFFF  }
0xac: {  	[dreg:$0x1] =	wrdreg $0xFFFFFFFF  }
0xad: {  	[dreg:$0x0] =	wrdreg $0x60  }
0xae: {  	[dreg:$0x2] =	wrdreg s2  }
0xaf: {  	[dreg:$0x3] =	wrdreg s24  }
0xb0: {  	[dreg:$0x4] =	wrdreg $0xC7000  }
0xb1: {  	[dreg:$0x5] =	wrdreg $0x9  }
0xb2: {  	_ =	task.clear_ibuf [dreg:s7], $0x6FFFF;
	_ =	strace $0x9000004C  }
0xb3: {  	s29 =	simm.s32 $0x9;
	_ =	strace $0x8000004E  }
0xb4: {  	_ =	swait.ge [sflag:s29], $0x1  }
0xb5: {  	[sflag:s29] =	ssyncadd.s32 $0xFFFFFFFF  }
0xb6: {  	_ =	strace $0x9000004E  }
0xb7: {  	_ =	sfence  }
0xb8: {  	s30 =	sld [smem:$0x0];
	_ =	sdelay $0x2  }
0xb9: {  	s31 =	sshll.u32 s1, $0xD;
	s1 =	sshrl.u32 s1, $0x2  }
0xba: {  	s3 =	sand.u32 $0x4000, s31;
	s1 =	sadd.s32 s1, s30  }
0xbb: {  	s0 =	sor.u32 s3, s0;
	s1 =	sshll.u32 s1, $0x11  }
0xbc: {  	s0 =	sor.u32 s1, s0  }
0xbd: {  	s0 =	sadd.s32 $0x8F2B, s0  }
0xbe: {  	[sflag:s0] =	ssyncadd.remote.s32 $0x1  }
0xbf: {  	_ =	sfence.sel $0xFFFF  }
0xc0: {  	[dreg:$0x0] =	wrdreg $0xFFFFFFFF;
	(pc) =	sbr.abs _section_cstart, $3  }
0xc1: {  	[dreg:$0x1] =	wrdreg $0xFFFFFFFF  }
0xc2: {  	_ =	task.clear_ibuf [dreg:s7], $0x2FFFF;
	_ =	strace $0x9FFFFFFF  }
0xc3: {  	(tm) =	ssettm $0x7FFFFFFF  }
tec
execute0_lowered:
.L_overlay_start_1:
0x0: {  	(tag) =	ssettag $0x1  }
0x1: {  	s0 =	srdreg.scid;
	s1 =	rddreg [dreg:$0x0]  }
0x2: {  	s2 =	rddreg [dreg:$0x1];
	s17 =	stileid.u32  }
0x3: {  	s3 =	rddreg [dreg:$0x2];
	s12 =	simm.s32 $0x80;
	s13 =	simm.s32 $0x400  }
0x4: {  	s14 =	simm.s32 $0x4;
	s19 =	simm.s32 $0x50;
	s20 =	simm.s32 $0x4F00  }
0x5: {  	s21 =	simm.s32 $0x7700;
	s23 =	simm.s32 $0x9F00;
	s24 =	simm.s32 $0x1  }
0x6: {  	s25 =	simm.s32 $0x2;
	s26 =	simm.s32 $0x3;
	s31 =	simm.s32 $0x26C0  }
0x7: {  	s22 =	simm.s32 $0x0;
	s0 =	sand.u32 $0x1, s0;
	s28 =	sshll.u32 s17, $0x7  }
0x8: {  	s8 =	smul.u32 $0x4E000, s17;
	s16 =	sadd.s32 $0x124800, s3;
	p0 =	seq.s32 s17, $0xF  }
0x9: {  	s4 =	sshll.u32 s0, $0x4;
	s7 =	sand.u32 $0x380, s28;
	s29 =	smul.u32 $0x27100, s0  }
0xa: {  	s0 =	ssub.s32 $0x2, s0;
	s16 =	sshrl.u32 @p0 s16, $0x3;
	s4 =	sor.u32 s17, s4  }
0xb: {  	s30 =	sshrl.u32 s0, $0x1;
	s8 =	sshrl.u32 s8, $0x2;
	s5 =	sshrl.u32 s4, $0x3  }
0xc: {  	s4 =	simm.s32 $0x0;
	s11 =	sadd.s32 s29, s2;
	s6 =	smul.u32 $0x13C00, s5  }
0xd: {  	s0 =	ssub.s32 s0, s30;
	s15 =	sadd.s32 s8, s3;
	s5 =	smul.u32 $0x2700, s17  }
0xe: {  	[smem:$0x7FF] =	sst s4;
	s18 =	sshrl.u32 @!p0 s15, $0x3;
	s15 =	simm.s32 $0x4E40  }
0xf: {  	_ =	strace $0x8000004D;
	s6 =	sor.u32 s7, s6;
	s10 =	sadd.s32 s5, s2  }
0x10: {  	s6 =	sshrl.u32 s6, $0x3;
	s8 =	sadd.s32 $0x16C00, s10;
	s10 =	sadd.s32 $0x3DE00, s11  }
0x11: {  	s11 =	smax.u32 s0, $0x1;
	s0 =	sshll.u32 @!p0 s17, $0x6;
	s9 =	sadd.s32 s6, s2  }
0x12: {  	s17 =	sor.u32 @!p0 $0x1C04, s0;
	s0 =	simm.s32 $0x4DF0;
	s6 =	sadd.s32 $0xCE00, s9  }
0x13: {  	s7 =	sadd.s32 $0x3000, s9;
	s9 =	sadd.s32 $0x3B500, s2;
	s2 =	simm.s32 $0x4DA0  }
.LBB2_1:
0x14: {  	[tilespmem:s4], [sflag:$0x4] =	stream.strided.gather [hbm4b:s6+s12], $0x2780, s13, s12, $0x38;
	[tilespmem:$0x1FF80] =	vst v63  }
0x15: {  	_ =	swait.ge [sflag:s14], $0x2780  }
0x16: {  	[sflag:s14] =	ssyncset.done $0x0  }
0x17: {  	s28 =	simm.s32 $0x2780;
	[sflag:s14] =	ssyncadd.s32 $0xFFFFD880  }
0x18: {  	[tilespmem:s28], [sflag:$0x4] =	stream.strided.gather [hbm4b:s7+s12], $0x2780, s13, s12, $0x38;
	[tilespmem:$0x1FF80] =	vst v63  }
0x19: {  	_ =	swait.ge [sflag:s14], $0x2780  }
0x1a: {  	[sflag:s14] =	ssyncset.done $0x0  }
0x1b: {  	s28 =	simm.s32 @p0 $0x1FC4;
	[sflag:s14] =	ssyncadd.s32 $0xFFFFD880  }
0x1c: {  	[spmem:s16], [sflag:s28] =	dma.local @p0 [hbm:s9], $0x2800  }
0x1d: {  	s28 =	simm.s32 @p0 $0x4  }
0x1e: {  	_ =	swait.ge @p0 [sflag:s28], $0x2800  }
0x1f: {  	[sflag:s28] =	ssyncset.done @p0 $0x0  }
0x20: {  	[sflag:s28] =	ssyncadd.s32 @p0 $0xFFFFD800;
	s28 =	simm.s32 @!p0 $0x4  }
0x21: {  	[spmem:s18], [sflag:s17] =	dma.local @!p0 [hbm:s8], $0x2700  }
0x22: {  	_ =	swait.ge @!p0 [sflag:s28], $0x2700  }
0x23: {  	[sflag:s28] =	ssyncset.done @!p0 $0x0  }
0x24: {  	[sflag:s28] =	ssyncadd.s32 @!p0 $0xFFFFD900  }
0x25: {  	[bflag:$0x0] =	sbarrier.arrive $0xFFFF  }
0x26: {  	[tilespmem:s20], [sflag:$0x1] =	stream.indirect.gather [hbm4b:s1+s19], $0x80, s4, s19, $0xb8;
	[tilespmem:$0x1FF80] =	vst v63  }
0x27: {  	_ = 	snop  }
0x28: {  	[tilespmem:s21], [sflag:$0x2] =	stream.indirect.gather [hbm4b:s1+s19], $0x80, s19, s19, $0xb8;
	[tilespmem:$0x1FF80] =	vst v63  }
0x29: {  	s28 =	simm.s32 $0xA0  }
0x2a: {  	[tilespmem:s23], [sflag:$0x3] =	stream.indirect.gather [hbm4b:s1+s19], $0x80, s28, s19, $0xb8;
	[tilespmem:$0x1FF80] =	vst v63  }
0x2b: {  	_ =	swait.ge [sflag:s24], $0x2800  }
0x2c: {  	[sflag:s24] =	ssyncset.done $0x0  }
0x2d: {  	s28 =	simm.s32 $0x2780;
	[sflag:s24] =	ssyncadd.s32 $0xFFFFD800  }
0x2e: {  	[spmem:s3] =	stream.indirect.scatter.add.f32 [tilespmem:s20], [sflag:$0x4], $0x80, s28, s19, $0xb8;
	[tilespmem:$0x1FF80] =	vst v63  }
0x2f: {  	_ =	swait.ge [sflag:s14], $0x2800  }
0x30: {  	[sflag:s14] =	ssyncset.done $0x0  }
0x31: {  	s28 =	simm.s32 $0xF0;
	[sflag:s14] =	ssyncadd.s32 $0xFFFFD800  }
0x32: {  	[tilespmem:s20], [sflag:$0x1] =	stream.indirect.gather [hbm4b:s1+s19], $0x80, s28, s19, $0xb8;
	[tilespmem:$0x1FF80] =	vst v63  }
0x33: {  	_ =	swait.ge [sflag:s25], $0x2800  }
0x34: {  	[sflag:s25] =	ssyncset.done $0x0  }
0x35: {  	s28 =	simm.s32 $0x27D0;
	[sflag:s25] =	ssyncadd.s32 $0xFFFFD800  }
0x36: {  	[spmem:s3] =	stream.indirect.scatter.add.f32 [tilespmem:s21], [sflag:$0x4], $0x80, s28, s19, $0xb8;
	[tilespmem:$0x1FF80] =	vst v63  }
0x37: {  	_ =	swait.ge [sflag:s14], $0x2800  }
0x38: {  	[sflag:s14] =	ssyncset.done $0x0  }
0x39: {  	s28 =	simm.s32 $0x140;
	[sflag:s14] =	ssyncadd.s32 $0xFFFFD800  }
0x3a: {  	[tilespmem:s21], [sflag:$0x2] =	stream.indirect.gather [hbm4b:s1+s19], $0x80, s28, s19, $0xb8;
	[tilespmem:$0x1FF80] =	vst v63  }
0x3b: {  	_ =	swait.ge [sflag:s26], $0x2800  }
0x3c: {  	[sflag:s26] =	ssyncset.done $0x0  }
0x3d: {  	s28 =	simm.s32 $0x2820;
	[sflag:s26] =	ssyncadd.s32 $0xFFFFD800  }
0x3e: {  	[spmem:s3] =	stream.indirect.scatter.add.f32 [tilespmem:s23], [sflag:$0x4], $0x80, s28, s19, $0xb8;
	[tilespmem:$0x1FF80] =	vst v63  }
0x3f: {  	_ =	swait.ge [sflag:s14], $0x2800  }
0x40: {  	[sflag:s14] =	ssyncset.done $0x0  }
0x41: {  	s29 =	simm.s32 $0x190;
	s28 =	simm.s32 $0x3C0;
	[sflag:s14] =	ssyncadd.s32 $0xFFFFD800  }
.LBB2_2:
0x42: {  	[tilespmem:s23], [sflag:$0x3] =	stream.indirect.gather [hbm4b:s1+s19], $0x80, s29, s19, $0xb8;
	[tilespmem:$0x1FF80] =	vst v63  }
0x43: {  	s29 =	smov.u32 s28  }
0x44: {  	p1 =	sne.s32 s28, $0x9240;
	s28 =	sadd.s32 $0x3C0, s28;
	_ =	swait.ge [sflag:s24], $0x2800  }
0x45: {  	s29 =	sshra.s32 s29, $0x2;
	[sflag:s24] =	ssyncset.done $0x0  }
0x46: {  	s30 =	sadd.s32 $0x2780, s29;
	[sflag:s24] =	ssyncadd.s32 $0xFFFFD800  }
0x47: {  	[spmem:s3] =	stream.indirect.scatter.add.f32 [tilespmem:s20], [sflag:$0x4], $0x80, s30, s19, $0xb8;
	[tilespmem:$0x1FF80] =	vst v63  }
0x48: {  	_ =	swait.ge [sflag:s14], $0x2800  }
0x49: {  	[sflag:s14] =	ssyncset.done $0x0  }
0x4a: {  	s30 =	sadd.s32 $0xF0, s29;
	[sflag:s14] =	ssyncadd.s32 $0xFFFFD800  }
0x4b: {  	[tilespmem:s20], [sflag:$0x1] =	stream.indirect.gather [hbm4b:s1+s19], $0x80, s30, s19, $0xb8;
	[tilespmem:$0x1FF80] =	vst v63  }
0x4c: {  	_ =	swait.ge [sflag:s25], $0x2800  }
0x4d: {  	[sflag:s25] =	ssyncset.done $0x0  }
0x4e: {  	s30 =	sadd.s32 $0x27D0, s29;
	[sflag:s25] =	ssyncadd.s32 $0xFFFFD800  }
0x4f: {  	[spmem:s3] =	stream.indirect.scatter.add.f32 [tilespmem:s21], [sflag:$0x4], $0x80, s30, s19, $0xb8;
	[tilespmem:$0x1FF80] =	vst v63  }
0x50: {  	_ =	swait.ge [sflag:s14], $0x2800  }
0x51: {  	[sflag:s14] =	ssyncset.done $0x0  }
0x52: {  	s30 =	sadd.s32 $0x140, s29;
	[sflag:s14] =	ssyncadd.s32 $0xFFFFD800  }
0x53: {  	[tilespmem:s21], [sflag:$0x2] =	stream.indirect.gather [hbm4b:s1+s19], $0x80, s30, s19, $0xb8;
	[tilespmem:$0x1FF80] =	vst v63  }
0x54: {  	_ =	swait.ge [sflag:s26], $0x2800  }
0x55: {  	[sflag:s26] =	ssyncset.done $0x0  }
.Ltmp0:
0x56: {  	s30 =	sadd.s32 $0x2820, s29;
	[sflag:s26] =	ssyncadd.s32 $0xFFFFD800;
	(pc) =	sbr.rel @p1 .LBB2_2-.Ltmp0, $4  }
0x57: {  	[spmem:s3] =	stream.indirect.scatter.add.f32 [tilespmem:s23], [sflag:$0x4], $0x80, s30, s19, $0xb8;
	[tilespmem:$0x1FF80] =	vst v63  }
0x58: {  	_ =	swait.ge [sflag:s14], $0x2800  }
0x59: {  	[sflag:s14] =	ssyncset.done $0x0  }
0x5a: {  	s29 =	sadd.s32 $0x190, s29;
	[sflag:s14] =	ssyncadd.s32 $0xFFFFD800  }
0x5b: {  	[tilespmem:s23], [sflag:$0x3] =	stream.indirect.gather [hbm4b:s1+s19], $0x80, s29, s19, $0xb8;
	[tilespmem:$0x1FF80] =	vst v63  }
0x5c: {  	_ =	swait.ge [sflag:s24], $0x2800  }
0x5d: {  	[sflag:s24] =	ssyncset.done $0x0  }
0x5e: {  	s28 =	simm.s32 $0x4D00;
	[sflag:s24] =	ssyncadd.s32 $0xFFFFD800  }
0x5f: {  	[spmem:s3] =	stream.indirect.scatter.add.f32 [tilespmem:s20], [sflag:$0x4], $0x80, s28, s19, $0xb8;
	[tilespmem:$0x1FF80] =	vst v63  }
0x60: {  	_ =	swait.ge [sflag:s14], $0x2800  }
0x61: {  	[sflag:s14] =	ssyncset.done $0x0  }
0x62: {  	s29 =	simm.s32 $0x2670;
	[sflag:s14] =	ssyncadd.s32 $0xFFFFD800  }
0x63: {  	[tilespmem:s20], [sflag:$0x1] =	stream.indirect.gather [hbm4b:s1+s19], $0x80, s29, s19, $0xb8;
	[tilespmem:$0x1FF80] =	vst v63  }
0x64: {  	_ =	swait.ge [sflag:s25], $0x2800  }
0x65: {  	[sflag:s25] =	ssyncset.done $0x0  }
0x66: {  	s30 =	simm.s32 $0x4D50;
	[sflag:s25] =	ssyncadd.s32 $0xFFFFD800  }
0x67: {  	[spmem:s3] =	stream.indirect.scatter.add.f32 [tilespmem:s21], [sflag:$0x4], $0x80, s30, s19, $0xb8;
	[tilespmem:$0x1FF80] =	vst v63  }
0x68: {  	_ =	swait.ge [sflag:s14], $0x2800  }
0x69: {  	[sflag:s14] =	ssyncset.done $0x0  }
0x6a: {  	[sflag:s14] =	ssyncadd.s32 $0xFFFFD800  }
0x6b: {  	[tilespmem:s21], [sflag:$0x2] =	stream.indirect.gather [hbm4b:s1+s19], $0x80, s31, s19, $0xb8;
	[tilespmem:$0x1FF80] =	vst v63  }
0x6c: {  	_ =	swait.ge [sflag:s26], $0x2800  }
0x6d: {  	[sflag:s26] =	ssyncset.done $0x0  }
0x6e: {  	[sflag:s26] =	ssyncadd.s32 $0xFFFFD800  }
0x6f: {  	[spmem:s3] =	stream.indirect.scatter.add.f32 [tilespmem:s23], [sflag:$0x4], $0x80, s2, s19, $0xb8;
	[tilespmem:$0x1FF80] =	vst v63  }
0x70: {  	_ =	swait.ge [sflag:s14], $0x2800  }
0x71: {  	[sflag:s14] =	ssyncset.done $0x0  }
0x72: {  	[sflag:s14] =	ssyncadd.s32 $0xFFFFD800  }
0x73: {  	_ =	swait.ge [sflag:s24], $0x2800  }
0x74: {  	[sflag:s24] =	ssyncset.done $0x0  }
0x75: {  	[sflag:s24] =	ssyncadd.s32 $0xFFFFD800  }
0x76: {  	[spmem:s3] =	stream.indirect.scatter.add.f32 [tilespmem:s20], [sflag:$0x4], $0x80, s0, s19, $0xb8;
	[tilespmem:$0x1FF80] =	vst v63  }
0x77: {  	_ =	swait.ge [sflag:s14], $0x2800  }
0x78: {  	[sflag:s14] =	ssyncset.done $0x0  }
0x79: {  	[sflag:s14] =	ssyncadd.s32 $0xFFFFD800  }
0x7a: {  	_ =	swait.ge [sflag:s25], $0x2800  }
0x7b: {  	[sflag:s25] =	ssyncset.done $0x0  }
0x7c: {  	[sflag:s25] =	ssyncadd.s32 $0xFFFFD800  }
0x7d: {  	[spmem:s3] =	stream.indirect.scatter.add.f32 [tilespmem:s21], [sflag:$0x4], $0x80, s15, s19, $0xb8;
	[tilespmem:$0x1FF80] =	vst v63  }
0x7e: {  	_ =	swait.ge [sflag:s14], $0x2800  }
0x7f: {  	[sflag:s14] =	ssyncset.done $0x0  }
0x80: {  	[sflag:s14] =	ssyncadd.s32 $0xFFFFD800  }
0x81: {  	s28 =	sadd.s32 @p0 $0x24900, s10;
	s29 =	simm.s32 @p0 $0x1FC4;
	[bflag:$0x0] =	sbarrier.arrive $0xFFFF  }
0x82: {  	[hbm:s28], [sflag:s29] =	dma.local @p0 [spmem:s16], $0x2800  }
0x83: {  	s28 =	simm.s32 @p0 $0x4  }
0x84: {  	_ =	swait.ge @p0 [sflag:s28], $0x2800  }
0x85: {  	s22 =	sadd.s32 $0x1, s22;
	[sflag:s28] =	ssyncset.done @p0 $0x0  }
0x86: {  	p1 =	sne.s32 s22, s11;
	[sflag:s28] =	ssyncadd.s32 @p0 $0xFFFFD800;
	s28 =	sadd.s32 @!p0 s5, s10  }
0x87: {  	[hbm:s28], [sflag:s17] =	dma.local @!p0 [spmem:s18], $0x2700  }
.Ltmp1:
0x88: {  	_ = 	snop;
	(pc) =	sbr.rel @p1 .LBB2_1-.Ltmp1, $4  }
0x89: {  	s28 =	simm.s32 @!p0 $0x4  }
0x8a: {  	_ =	swait.ge @!p0 [sflag:s28], $0x2700  }
0x8b: {  	[sflag:s28] =	ssyncset.done @!p0 $0x0  }
0x8c: {  	[sflag:s28] =	ssyncadd.s32 @!p0 $0xFFFFD900  }
0x8d: {  	_ =	sfence.sel $0x180000  }
0x8e: {  	[bflag:$0x0] =	sbarrier.arrive $0xFFFF  }
0x8f: {  	_ =	strace $0x9000004D  }
0x90: {  	s0 =	stileid.u32;
	[bflag:$0x2] =	sbarrier.arrive $0xFFFF  }
0x91: {  	p0 =	sne.s32 s0, $0x0;
	s0 =	rddreg [dreg:$0x3]  }
0x92: {  	s0 =	sadd.s32 @!p0 $0x100000, s0  }
0x93: {  	[sflag:s0] =	ssyncadd.tile.s32 @!p0 $0x1;
	_ =	shalt  }
.Lfunc_end2:
_tile_overlayer_lowered:
.L_overlay_start_2:
0x94: {  	(tag) =	ssettag $0x2  }
0x95: {  	s0 =	rddreg [dreg:$0x0];
	s2 =	stileid.u32  }
0x96: {  	s1 =	rddreg [dreg:$0x1];
	p0 =	sne.s32 s2, $0x0  }
0x97: {  	s3 =	rddreg [dreg:$0x2];
	[bflag:$0x3] =	sbarrier.arrive $0xFFFF;
	s2 =	simm.s32 @!p0 $0x1C04  }
0x98: {  	[timem:s3], [sflag:s2] =	dma.local @!p0 [hbm:s0], s1  }
0x99: {  	s0 =	simm.s32 @!p0 $0x4  }
0x9a: {  	_ =	swait.ge @!p0 [sflag:s0], s1  }
0x9b: {  	s1 =	ssub.s32 @!p0 $0x0, s1;
	[sflag:s0] =	ssyncset.done @!p0 $0x0  }
0x9c: {  	[sflag:s0] =	ssyncadd.s32 @!p0 s1  }
0x9d: {  	[bflag:$0x3] =	sbarrier.arrive $0xFFFF  }
0x9e: {  	_ =	shalt  }

// kernel: kernel.9.cloned.1.call-start
scs
__scs_entry_jumppad:
0x0: {  	(pc) =	sbr.rel $0x88, $3  }
0x1: {  	(tag) =	ssettag $0x0;
	lr =	simm.s32 $0x1  }
0x2: {  	[smem:$0x3F9B] =	sst lr;
	_ =	strace $0xD0000000  }
0x3: {  	_ = 	snop  }
0x4: {  	_ = 	snop  }
0x5: {  	_ = 	snop  }
0x6: {  	_ = 	snop  }
0x7: {  	_ = 	snop  }
__scs_overlays_trampoline_lowered:
0x8: {  	[smem:$0x3FAA] =	sst s0  }
0x9: {  	[smem:$0x3FAB] =	sst s1  }
0xa: {  	[smem:$0x3FAC] =	sst s2  }
0xb: {  	[smem:$0x3FAD] =	sst s3  }
0xc: {  	[smem:$0x3FAE] =	sst s4  }
0xd: {  	[smem:$0x3FAF] =	sst s5  }
0xe: {  	[smem:$0x3FB0] =	sst s6  }
0xf: {  	[smem:$0x3FB1] =	sst s7  }
0x10: {  	[smem:$0x3FB2] =	sst s8  }
0x11: {  	[smem:$0x3FB3] =	sst s9;
	s0 =	simm.s32 @!p0 $0x0  }
0x12: {  	s1 =	sld [smem:$0x3F99];
	s0 =	simm.s32 @p0 $0x1  }
0x13: {  	[smem:$0x3FB4] =	sst s0;
	s0 =	simm.s32 @!p1 $0x0  }
0x14: {  	s2 =	sld [smem:$0x3F98];
	s0 =	simm.s32 @p1 $0x1  }
0x15: {  	[smem:$0x3FB5] =	sst s0;
	s0 =	simm.s32 @!p2 $0x0  }
0x16: {  	s3 =	sld [smem:$0x3FDB];
	s0 =	simm.s32 @p2 $0x1  }
0x17: {  	s4 =	simm.s32 $0x1BF5;
	[smem:$0x3FB7] =	sst s0  }
0x18: {  	s0 =	sld [smem:$0x3F9A];
	_ =	swait.ge [sflag:s4], $0x0  }
0x19: {  	s7 =	sld [smem:$0x3F9B]  }
0x1a: {  	s8 =	sadd.s32 $0xFFFFE003, lr  }
0x1b: {  	s9 =	sadd.s32 $0xFFFFFEF7, lr;
	s5 =	simm.s32 $0xFFFFFFFF;
	p2 =	slt.u32 s8, $0xFFFFF086  }
0x1c: {  	p1 =	slt.u32 s9, $0xF7A;
	s5 =	simm.s32 @!p2 $0x0  }
0x1d: {  	s5 =	simm.s32 @p1 $0x1;
	p0 =	seq.s32 s7, s2  }
0x1e: {  	s7 =	smul.u32 @!p0 $0xF7A, s2;
	p2 =	seq.s32 @!p0 s5, $0x0  }
0x1f: {  	s9 =	smul.u32 $0xF7A, s1;
	s8 =	simm.s32 @!p0 $0x1BF5;
	p2 =	por !p2, p0  }
0x20: {  	[sflag:s8] =	ssyncset.s32 @!p0 $0xFFFFF086;
	s6 =	sadd.s32 @!p0 s3, s7;
	s7 =	simm.s32 @!p0 $0x108  }
0x21: {  	s3 =	sadd.s32 s3, s9;
	s6 =	sadd.s32 @!p0 $0x88, s6;
	s7 =	simm.s32 @p2 $0x1082  }
0x22: {  	[simem:s7], [sflag:s8] =	dma.local @!p0 [hbm:s6], $0xF7A  }
0x23: {  	s9 =	sor.u32 $0xD0000000, s2;
	s6 =	simm.s32 $0x108;
	_ =	swait.ge @!p0 [sflag:s8], $0x0  }
0x24: {  	s3 =	sadd.s32 $0x88, s3;
	s6 =	simm.s32 @!p1 $0x1082;
	[sflag:s4] =	ssyncset.s32 $0xFFFFF086  }
0x25: {  	[simem:s6], [sflag:s4] =	dma.local [hbm:s3], $0xF7A  }
0x26: {  	[smem:$0x3F9B] =	sst s1;
	(tag) =	ssettag s2;
	_ =	strace s9  }
0x27: {  	s1 =	sld [smem:$0x3FAB]  }
0x28: {  	s2 =	sld [smem:$0x3FAC]  }
0x29: {  	s4 =	sld [smem:$0x3FAE]  }
0x2a: {  	p0 =	seq.s32 s5, $0x0;
	s5 =	sld [smem:$0x3FAF]  }
0x2b: {  	s6 =	sld [smem:$0x3FB0]  }
0x2c: {  	s7 =	sld [smem:$0x3FB1]  }
0x2d: {  	s3 =	simm.s32 $0x108;
	s8 =	sld [smem:$0x3FB2]  }
0x2e: {  	s3 =	simm.s32 @!p0 $0x1082;
	s9 =	sld [smem:$0x3FB3]  }
0x2f: {  	lr =	sadd.s32 s0, s3;
	s0 =	sld [smem:$0x3FAA]  }
0x30: {  	s3 =	sld [smem:$0x3FAD]  }
0x31: {  	[smem:$0x3FB6] =	sst s10  }
0x32: {  	s10 =	sld [smem:$0x3FB4];
	_ =	sdelay $0x3  }
0x33: {  	p0 =	seq.s32 s10, $0x1;
	s10 =	sld [smem:$0x3FB6];
	_ =	sdelay $0x3  }
0x34: {  	[smem:$0x3FB6] =	sst s10  }
0x35: {  	s10 =	sld [smem:$0x3FB5];
	_ =	sdelay $0x3  }
0x36: {  	p1 =	seq.s32 s10, $0x1;
	s10 =	sld [smem:$0x3FB6];
	_ =	sdelay $0x3  }
0x37: {  	[smem:$0x3FB6] =	sst s10  }
0x38: {  	s10 =	sld [smem:$0x3FB7]  }
0x39: {  	_ = 	snop;
	(pc) =	sbr.ind lr, $3  }
0x3a: {  	_ = 	snop  }
0x3b: {  	_ = 	snop  }
0x3c: {  	p2 =	seq.s32 s10, $0x1;
	s10 =	sld [smem:$0x3FB6]  }
0x3d: {  	_ =	shalt  }
0x3e: {  	_ =	shalt  }
0x3f: {  	_ =	shalt  }
0x40: {  	_ =	shalt  }
0x41: {  	_ =	shalt  }
0x42: {  	_ =	shalt  }
0x43: {  	_ =	shalt  }
0x44: {  	_ =	shalt  }
0x45: {  	_ =	shalt  }
0x46: {  	_ =	shalt  }
0x47: {  	_ =	shalt  }
0x48: {  	_ =	shalt  }
0x49: {  	_ =	shalt  }
0x4a: {  	_ =	shalt  }
0x4b: {  	_ =	shalt  }
0x4c: {  	_ =	shalt  }
0x4d: {  	_ =	shalt  }
0x4e: {  	_ =	shalt  }
0x4f: {  	_ =	shalt  }
0x50: {  	_ =	shalt  }
0x51: {  	_ =	shalt  }
0x52: {  	_ =	shalt  }
0x53: {  	_ =	shalt  }
0x54: {  	_ =	shalt  }
0x55: {  	_ =	shalt  }
0x56: {  	_ =	shalt  }
0x57: {  	_ =	shalt  }
0x58: {  	_ =	shalt  }
0x59: {  	_ =	shalt  }
0x5a: {  	_ =	shalt  }
0x5b: {  	_ =	shalt  }
0x5c: {  	_ =	shalt  }
0x5d: {  	_ =	shalt  }
0x5e: {  	_ =	shalt  }
0x5f: {  	_ =	shalt  }
0x60: {  	_ =	shalt  }
0x61: {  	_ =	shalt  }
0x62: {  	_ =	shalt  }
0x63: {  	_ =	shalt  }
0x64: {  	_ =	shalt  }
0x65: {  	_ =	shalt  }
0x66: {  	_ =	shalt  }
0x67: {  	_ =	shalt  }
0x68: {  	_ =	shalt  }
0x69: {  	_ =	shalt  }
0x6a: {  	_ =	shalt  }
0x6b: {  	_ =	shalt  }
0x6c: {  	_ =	shalt  }
0x6d: {  	_ =	shalt  }
0x6e: {  	_ =	shalt  }
0x6f: {  	_ =	shalt  }
0x70: {  	_ =	shalt  }
0x71: {  	_ =	shalt  }
0x72: {  	_ =	shalt  }
0x73: {  	_ =	shalt  }
0x74: {  	_ =	shalt  }
0x75: {  	_ =	shalt  }
0x76: {  	_ =	shalt  }
0x77: {  	_ =	shalt  }
0x78: {  	_ =	shalt  }
0x79: {  	_ =	shalt  }
0x7a: {  	_ =	shalt  }
0x7b: {  	_ =	shalt  }
0x7c: {  	_ =	shalt  }
0x7d: {  	_ =	shalt  }
0x7e: {  	_ =	shalt  }
0x7f: {  	_ =	shalt  }
0x80: {  	_ =	shalt  }
0x81: {  	_ =	shalt  }
0x82: {  	_ =	shalt  }
0x83: {  	_ =	shalt  }
0x84: {  	_ =	shalt  }
0x85: {  	_ =	shalt  }
0x86: {  	_ =	shalt  }
0x87: {  	_ =	shalt  }
.Lfunc_end0:
.L_simem_size_0:
called_computation_lowered:
.L_overlay_start_0:
0x88: {  	s2 =	sld [smem:$0x3FD9]  }
0x89: {  	s3 =	sld [smem:$0x3FFE];
	_ =	sdelay $0x1  }
0x8a: {  	s1 =	srdreg.scid  }
0x8b: {  	s0 =	sand.u32 $0x1, s1  }
0x8c: {  	s17 =	sshll.u32 s0, $0xA;
	s2 =	sadd.s32 s3, s2  }
0x8d: {  	s2 =	sadd.s32 s2, s17  }
0x8e: {  	[smem:$0x3FC2] =	sst s2  }
0x8f: {  	_ = 	snop  }
0x90: {  	s2 =	sld [smem:$0x3FD0];
	(tm) =	ssettm $0x1  }
0x91: {  	s18 =	sld [smem:$0x3FFB];
	_ =	sdelay $0x3  }
0x92: {  	_ =	strace s18  }
0x93: {  	s3 =	sld [smem:$0x3FFC];
	_ =	sdelay $0x3  }
0x94: {  	_ =	strace s3  }
0x95: {  	s3 =	sld [smem:$0x3FFD];
	_ =	sdelay $0x3  }
0x96: {  	_ =	strace s3  }
0x97: {  	_ =	strace $0x8FFFFFFF  }
0x98: {  	s19 =	sld [smem:$0x3FDB];
	_ =	sdelay $0x1  }
0x99: {  	s4 =	simm.s32 $_scs_section_size  }
0x9a: {  	s5 =	simm.s32 $_size__tile_overlayer_lowered;
	s6 =	simm.s32 $_tile_overlayer_lowered  }
0x9b: {  	s22 =	simm.s32 $0x1BFF;
	s21 =	sshll.u32 s6, $0x1;
	s3 =	sadd.s32 s4, s19  }
0x9c: {  	s7 =	simm.s32 $0x0;
	s20 =	sshll.u32 s5, $0x1;
	s5 =	sadd.s32 s21, s3  }
0x9d: {  	[timem:s7], [sflag:s22] =	dma.local [hbm:s5], s20  }
0x9e: {  	_ =	swait.ge [sflag:s22], s20  }
0x9f: {  	s4 =	ssub.s32 $0x0, s20;
	[sflag:s22] =	ssyncset.done $0x0  }
0xa0: {  	[sflag:s22] =	ssyncadd.s32 s4;
	_ =	sdelay $0x1  }
0xa1: {  	s23 =	simm.s32 $0x1B8B  }
0xa2: {  	_ =	swait.ge [sflag:s23], $0x1  }
0xa3: {  	[sflag:s23] =	ssyncset.done $0x0  }
0xa4: {  	s25 =	simm.s32 $0x1B8E;
	s24 =	sld [smem:$0x3FFE];
	[sflag:s23] =	ssyncadd.s32 $0xFFFFFFFF  }
0xa5: {  	s26 =	simm.s32 $execute0_lowered;
	[smem:$0x3FD2] =	sst s25  }
0xa6: {  	s5 =	sshll.u32 s26, $0x1;
	_ =	strace $0x80000046;
	[dreg:$0x1] =	wrdreg $0xFFFFFFFF  }
0xa7: {  	s28 =	simm.s32 $_size_execute0_lowered;
	s3 =	sadd.s32 s3, s5;
	[dreg:$0x0] =	wrdreg $0x0  }
0xa8: {  	s5 =	sshll.u32 s28, $0x1;
	[dreg:$0x2] =	wrdreg s3  }
0xa9: {  	[dreg:$0x3] =	wrdreg s5  }
0xaa: {  	[dreg:$0x4] =	wrdreg $0xC0  }
0xab: {  	_ =	task [dreg:s7], $0x5FFFF  }
0xac: {  	[dreg:$0x1] =	wrdreg $0xFFFFFFFF  }
0xad: {  	[dreg:$0x0] =	wrdreg $0x60  }
0xae: {  	[dreg:$0x2] =	wrdreg s2  }
0xaf: {  	[dreg:$0x3] =	wrdreg s24  }
0xb0: {  	[dreg:$0x4] =	wrdreg $0x40800  }
0xb1: {  	[dreg:$0x5] =	wrdreg $0x9  }
0xb2: {  	_ =	task.clear_ibuf [dreg:s7], $0x6FFFF;
	_ =	strace $0x90000046  }
0xb3: {  	s29 =	simm.s32 $0x9;
	_ =	strace $0x80000048  }
0xb4: {  	_ =	swait.ge [sflag:s29], $0x1  }
0xb5: {  	[sflag:s29] =	ssyncadd.s32 $0xFFFFFFFF  }
0xb6: {  	_ =	strace $0x90000048  }
0xb7: {  	_ =	sfence  }
0xb8: {  	s30 =	sld [smem:$0x0];
	_ =	sdelay $0x2  }
0xb9: {  	s31 =	sshll.u32 s1, $0xD;
	s1 =	sshrl.u32 s1, $0x2  }
0xba: {  	s3 =	sand.u32 $0x4000, s31;
	s1 =	sadd.s32 s1, s30  }
0xbb: {  	s0 =	sor.u32 s3, s0;
	s1 =	sshll.u32 s1, $0x11  }
0xbc: {  	s0 =	sor.u32 s1, s0  }
0xbd: {  	s0 =	sadd.s32 $0x8F2B, s0  }
0xbe: {  	[sflag:s0] =	ssyncadd.remote.s32 $0x1  }
0xbf: {  	_ =	sfence.sel $0xFFFF  }
0xc0: {  	[dreg:$0x0] =	wrdreg $0xFFFFFFFF;
	(pc) =	sbr.abs _section_cstart, $3  }
0xc1: {  	[dreg:$0x1] =	wrdreg $0xFFFFFFFF  }
0xc2: {  	_ =	task.clear_ibuf [dreg:s7], $0x2FFFF;
	_ =	strace $0x9FFFFFFF  }
0xc3: {  	(tm) =	ssettm $0x7FFFFFFF  }
tec
execute0_lowered:
.L_overlay_start_1:
0x0: {  	(tag) =	ssettag $0x1  }
0x1: {  	s4 =	rddreg [dreg:$0x0]  }
0x2: {  	s5 =	rddreg [dreg:$0x1]  }
0x3: {  	s1 =	rddreg [dreg:$0x2]  }
0x4: {  	s0 =	rddreg [dreg:$0x3]  }
0x5: {  	s2 =	simm.s32 $0x0;
	s6 =	srdreg.scid;
	s8 =	stileid.u32  }
0x6: {  	s11 =	simm.s32 $0x0;
	[smem:$0x7FF] =	sst s2;
	s3 =	sadd.s32 $0x2000, s5  }
0x7: {  	s6 =	sand.u32 $0x1, s6;
	s10 =	sshll.u32 s8, $0xB;
	p0 =	sne.s32 s8, $0x0  }
0x8: {  	_ =	strace $0x80000047;
	s7 =	sshll.u32 s6, $0x4;
	s9 =	ssub.s32 $0x2, s6  }
0x9: {  	s6 =	sshll.u32 s6, $0xF;
	s4 =	sadd.s32 s4, s10;
	s8 =	sshrl.u32 @!p0 s1, $0x3  }
0xa: {  	s10 =	simm.s32 $0x4000;
	s5 =	sadd.s32 s7, s5;
	s31 =	sshrl.u32 s9, $0x1  }
0xb: {  	s4 =	sadd.s32 s6, s4;
	s7 =	ssub.s32 s9, s31;
	s5 =	sadd.s32 $0x2600, s5  }
0xc: {  	v0 =	vimm.f32 $1.000000000e+00;
	s9 =	simm.s32 $0x50;
	s6 =	smax.u32 s7, $0x1;
	s7 =	simm.s32 $0x1  }
.LBB2_1:
0xd: {  	[tilespmem:s2], [sflag:$0x1] =	stream.linear.gather [hbm4b:s4+s2], $0x3E80, $0x38;
	[tilespmem:$0x42F8] =	vst v63  }
0xe: {  	_ =	swait.ge [sflag:s7], $0x3E80  }
0xf: {  	[sflag:s7] =	ssyncset.done $0x0  }
0x10: {  	[sflag:s7] =	ssyncadd.s32 $0xFFFFC180  }
0x11: {  	[tilespmem:$0x4000] =	vst v0  }
0x12: {  	[tilespmem:$0x4010] =	vst v0  }
0x13: {  	[tilespmem:$0x4020] =	vst v0  }
0x14: {  	[tilespmem:$0x4030] =	vst v0  }
0x15: {  	s12 =	simm.s32 @!p0 $0x1C01;
	[tilespmem:$0x4040] =	vst v0  }
0x16: {  	[spmem:s8], [sflag:s12] =	dma.local @!p0 [hbm:s3], $0x4F0  }
0x17: {  	s12 =	simm.s32 @!p0 $0x1  }
0x18: {  	_ =	swait.ge @!p0 [sflag:s12], $0x4F0  }
0x19: {  	[sflag:s12] =	ssyncset.done @!p0 $0x0  }
0x1a: {  	[sflag:s12] =	ssyncadd.s32 @!p0 $0xFFFFFB10  }
0x1b: {  	s31 =	simm.s32 $0x0;
	[bflag:$0x0] =	sbarrier.arrive $0xFFFF  }
0x1c: {  	[spmem:s1] =	stream.indirect.scatter.add.f32 [tilespmem:s10], [sflag:$0x1], $0x1, s31, s9, $0xb8;
	[tilespmem:$0x42F8] =	vst v63  }
0x1d: {  	_ =	swait.ge [sflag:s7], $0x50  }
0x1e: {  	s12 =	simm.s32 $0x200;
	[sflag:s7] =	ssyncset.done $0x0  }
.LBB2_2:
0x1f: {  	s13 =	sshra.s32 s12, $0x2;
	[sflag:s7] =	ssyncadd.s32 $0xFFFFFFB0;
	p1 =	sne.s32 s12, $0xF800  }
0x20: {  	[spmem:s1] =	stream.indirect.scatter.add.f32 [tilespmem:s10], [sflag:$0x1], $0x1, s13, s9, $0xb8;
	[tilespmem:$0x42F8] =	vst v63  }
.Ltmp0:
0x21: {  	_ = 	snop;
	(pc) =	sbr.rel @p1 .LBB2_2-.Ltmp0, $4  }
0x22: {  	_ = 	snop  }
0x23: {  	s12 =	sadd.s32 $0x200, s12  }
0x24: {  	_ =	swait.ge [sflag:s7], $0x50  }
0x25: {  	[sflag:s7] =	ssyncset.done $0x0  }
0x26: {  	[sflag:s7] =	ssyncadd.s32 $0xFFFFFFB0;
	s12 =	simm.s32 @!p0 $0x1;
	s11 =	sadd.s32 $0x1, s11  }
0x27: {  	s13 =	simm.s32 @!p0 $0x20;
	s14 =	simm.s32 @!p0 $0x10;
	p1 =	sne.s32 s11, s6  }
.Ltmp1:
0x28: {  	s15 =	simm.s32 @!p0 $0x1C01;
	[bflag:$0x0] =	sbarrier.arrive $0xFFFF;
	(pc) =	sbr.rel @p1 .LBB2_1-.Ltmp1, $4  }
0x29: {  	[hbm:s5@s13], [sflag:s15] =	dma.strided @!p0 [spmem:s8@s14], $0x4F0, s12, $0x10   }
0x2a: {  	_ =	swait.ge @!p0 [sflag:s12], $0x4F0  }
0x2b: {  	[sflag:s12] =	ssyncset.done @!p0 $0x0  }
0x2c: {  	[sflag:s12] =	ssyncadd.s32 @!p0 $0xFFFFFB10  }
0x2d: {  	_ =	sfence.sel $0x180000  }
0x2e: {  	[bflag:$0x0] =	sbarrier.arrive $0xFFFF  }
0x2f: {  	_ =	strace $0x90000047  }
0x30: {  	s0 =	sadd.s32 @!p0 $0x100000, s0;
	[bflag:$0x2] =	sbarrier.arrive $0xFFFF  }
0x31: {  	[sflag:s0] =	ssyncadd.tile.s32 @!p0 $0x1;
	_ =	shalt  }
.Lfunc_end2:
_tile_overlayer_lowered:
.L_overlay_start_2:
0x32: {  	(tag) =	ssettag $0x2  }
0x33: {  	s0 =	rddreg [dreg:$0x0];
	s2 =	stileid.u32  }
0x34: {  	s1 =	rddreg [dreg:$0x1];
	p0 =	sne.s32 s2, $0x0  }
0x35: {  	s3 =	rddreg [dreg:$0x2];
	[bflag:$0x3] =	sbarrier.arrive $0xFFFF;
	s2 =	simm.s32 @!p0 $0x1C01  }
0x36: {  	[timem:s3], [sflag:s2] =	dma.local @!p0 [hbm:s0], s1  }
0x37: {  	s0 =	simm.s32 @!p0 $0x1  }
0x38: {  	_ =	swait.ge @!p0 [sflag:s0], s1  }
0x39: {  	s1 =	ssub.s32 @!p0 $0x0, s1;
	[sflag:s0] =	ssyncset.done @!p0 $0x0  }
0x3a: {  	[sflag:s0] =	ssyncadd.s32 @!p0 s1  }
0x3b: {  	[bflag:$0x3] =	sbarrier.arrive $0xFFFF  }
0x3c: {  	_ =	shalt  }

</sc_bundles>
